<compile_context>
chip_gen: v7x
topology: tpu7x:2x2x1
jax: 0.10.2.dev20260603
libtpu: 0.0.44.dev20260713+nightly
codegen_flags: <defaults>
</compile_context>

<pallas_src>
import functools

import jax
import jax.numpy as jnp
from jax import lax
from jax.experimental import pallas as pl
from jax.experimental.pallas import tpu as pltpu
from jax.experimental.pallas import tpu_sc as plsc

NC = 2
NS = 16
NW = NC * NS
EB = 128
DEG_W = 16


def _sc_segment_sum(feat, srcw, dstw, zeros16, n_acc):
  _, D = feat.shape
  _, PB, _ = srcw.shape
  rpt = n_acc // NS
  mesh = plsc.VectorSubcoreMesh(
      core_axis_name="c", subcore_axis_name="s", num_cores=NC, num_subcores=NS)

  @functools.partial(
      pl.kernel,
      out_type=jax.ShapeDtypeStruct((NC * n_acc, D), jnp.float32),
      mesh=mesh,
      scratch_types=[
          pltpu.VMEM((PB, EB), jnp.int32),
          pltpu.VMEM((PB, EB), jnp.int32),
          pltpu.VMEM((EB, D), jnp.float32),
          pltpu.VMEM((16, D), jnp.float32),
          pltpu.VMEM_SHARED((n_acc, D), jnp.float32),
          pltpu.SemaphoreType.DMA,
      ],
  )
  def seg(feat_hbm, src_hbm, dst_hbm, z_hbm, out_hbm,
          srcv, dstv, rowsv, zv, acc, sem):
    c = lax.axis_index("c")
    s = lax.axis_index("s")
    wid = s * NC + c
    pltpu.sync_copy(src_hbm.at[wid], srcv)
    pltpu.sync_copy(dst_hbm.at[wid], dstv)
    pltpu.sync_copy(z_hbm, zv)

    base = s * rpt

    def zblock(i, carry):
      pltpu.sync_copy(zv, acc.at[pl.ds(base + i * 16, 16)])
      return carry
    lax.fori_loop(0, rpt // 16, zblock, 0)
    plsc.subcore_barrier()

    def step(j, carry):
      pltpu.async_copy(feat_hbm.at[srcv.at[j]], rowsv, sem).wait()
      pltpu.sync_copy(rowsv, acc.at[dstv.at[j]], add=True)
      return carry
    lax.fori_loop(0, PB, step, 0)
    plsc.subcore_barrier()

    pltpu.sync_copy(acc.at[pl.ds(base, rpt)],
                    out_hbm.at[pl.ds(c * n_acc + base, rpt)])

  return seg(feat, srcw, dstw, zeros16).reshape(NC, n_acc, D)


def _sc_degree(dstw, ones_rows, zeros16, n_acc):
  _, PB, _ = dstw.shape
  D = DEG_W
  rpt = n_acc // NS
  mesh = plsc.VectorSubcoreMesh(
      core_axis_name="c", subcore_axis_name="s", num_cores=NC, num_subcores=NS)

  @functools.partial(
      pl.kernel,
      out_type=jax.ShapeDtypeStruct((NC * n_acc, D), jnp.float32),
      mesh=mesh,
      scratch_types=[
          pltpu.VMEM((PB, EB), jnp.int32),
          pltpu.VMEM((EB, D), jnp.float32),
          pltpu.VMEM((16, D), jnp.float32),
          pltpu.VMEM_SHARED((n_acc, D), jnp.float32),
      ],
  )
  def deg(dst_hbm, ones_hbm, z_hbm, out_hbm, dstv, onesv, zv, acc):
    c = lax.axis_index("c")
    s = lax.axis_index("s")
    wid = s * NC + c
    pltpu.sync_copy(dst_hbm.at[wid], dstv)
    pltpu.sync_copy(ones_hbm, onesv)
    pltpu.sync_copy(z_hbm, zv)

    base = s * rpt

    def zblock(i, carry):
      pltpu.sync_copy(zv, acc.at[pl.ds(base + i * 16, 16)])
      return carry
    lax.fori_loop(0, rpt // 16, zblock, 0)
    plsc.subcore_barrier()

    def step(j, carry):
      pltpu.sync_copy(onesv, acc.at[dstv.at[j]], add=True)
      return carry
    lax.fori_loop(0, PB, step, 0)
    plsc.subcore_barrier()

    pltpu.sync_copy(acc.at[pl.ds(base, rpt)],
                    out_hbm.at[pl.ds(c * n_acc + base, rpt)])

  return deg(dstw, ones_rows, zeros16).reshape(NC, n_acc, D)


def _tc_dinv_scale(deg0, deg1, x, R):
  N, D = x.shape

  def body(d0, d1, xr, dinv_ref, xs_ref):
    dinv = lax.rsqrt(d0[...] + d1[...] + 1.0)
    dinv_ref[...] = dinv
    xs_ref[...] = xr[...] * dinv

  return pl.pallas_call(
      body,
      grid=(N // R,),
      in_specs=[
          pl.BlockSpec((R, 1), lambda i: (i, 0)),
          pl.BlockSpec((R, 1), lambda i: (i, 0)),
          pl.BlockSpec((R, D), lambda i: (i, 0)),
      ],
      out_specs=[
          pl.BlockSpec((R, 1), lambda i: (i, 0)),
          pl.BlockSpec((R, D), lambda i: (i, 0)),
      ],
      out_shape=[
          jax.ShapeDtypeStruct((N, 1), jnp.float32),
          jax.ShapeDtypeStruct((N, D), jnp.float32),
      ],
  )(deg0, deg1, x)


def _tc_agg_matmul_stats(a0, a1, xs, dinv, W, b, R):
  N, D = xs.shape
  DO = W.shape[1]

  def body(a0r, a1r, xsr, dinvr, Wr, br, h_ref, s_ref, q_ref):
    agg = (a0r[...] + a1r[...] + xsr[...]) * dinvr[...]
    h = jnp.dot(agg, Wr[...], preferred_element_type=jnp.float32) + br[...]
    h_ref[...] = h

    @pl.when(pl.program_id(0) == 0)
    def _():
      s_ref[...] = jnp.zeros_like(s_ref)
      q_ref[...] = jnp.zeros_like(q_ref)

    s_ref[...] += jnp.sum(h, axis=0, keepdims=True)
    q_ref[...] += jnp.sum(h * h, axis=0, keepdims=True)

  return pl.pallas_call(
      body,
      grid=(N // R,),
      in_specs=[
          pl.BlockSpec((R, D), lambda i: (i, 0)),
          pl.BlockSpec((R, D), lambda i: (i, 0)),
          pl.BlockSpec((R, D), lambda i: (i, 0)),
          pl.BlockSpec((R, 1), lambda i: (i, 0)),
          pl.BlockSpec((D, DO), lambda i: (0, 0)),
          pl.BlockSpec((1, DO), lambda i: (0, 0)),
      ],
      out_specs=[
          pl.BlockSpec((R, DO), lambda i: (i, 0)),
          pl.BlockSpec((1, DO), lambda i: (0, 0)),
          pl.BlockSpec((1, DO), lambda i: (0, 0)),
      ],
      out_shape=[
          jax.ShapeDtypeStruct((N, DO), jnp.float32),
          jax.ShapeDtypeStruct((1, DO), jnp.float32),
          jax.ShapeDtypeStruct((1, DO), jnp.float32),
      ],
  )(a0, a1, xs, dinv, W, b)


def _tc_bn_relu_matmul_scale(h, s, q, gamma, beta, W, dinv, R):
  N, D = h.shape
  DO = W.shape[1]
  inv_n = 1.0 / N

  def body(hr, sr, qr, gr, br, Wr, dinvr, gs_ref):
    mean = sr[...] * inv_n
    var = qr[...] * inv_n - mean * mean
    istd = lax.rsqrt(var + 1e-5)
    hn = (hr[...] - mean) * istd * gr[...] + br[...]
    a = jnp.maximum(hn, 0.0)
    g = jnp.dot(a, Wr[...], preferred_element_type=jnp.float32)
    gs_ref[...] = g * dinvr[...]

  return pl.pallas_call(
      body,
      grid=(N // R,),
      in_specs=[
          pl.BlockSpec((R, D), lambda i: (i, 0)),
          pl.BlockSpec((1, D), lambda i: (0, 0)),
          pl.BlockSpec((1, D), lambda i: (0, 0)),
          pl.BlockSpec((1, D), lambda i: (0, 0)),
          pl.BlockSpec((1, D), lambda i: (0, 0)),
          pl.BlockSpec((D, DO), lambda i: (0, 0)),
          pl.BlockSpec((R, 1), lambda i: (i, 0)),
      ],
      out_specs=pl.BlockSpec((R, DO), lambda i: (i, 0)),
      out_shape=jax.ShapeDtypeStruct((N, DO), jnp.float32),
  )(h, s, q, gamma, beta, W, dinv)


def _tc_agg_bias_stats(a0, a1, gs, dinv, b, R):
  N, D = gs.shape

  def body(a0r, a1r, gsr, dinvr, br, o_ref, s_ref, q_ref):
    op = (a0r[...] + a1r[...] + gsr[...]) * dinvr[...] + br[...]
    o_ref[...] = op

    @pl.when(pl.program_id(0) == 0)
    def _():
      s_ref[...] = jnp.zeros_like(s_ref)
      q_ref[...] = jnp.zeros_like(q_ref)

    s_ref[...] += jnp.sum(op, axis=0, keepdims=True)
    q_ref[...] += jnp.sum(op * op, axis=0, keepdims=True)

  return pl.pallas_call(
      body,
      grid=(N // R,),
      in_specs=[
          pl.BlockSpec((R, D), lambda i: (i, 0)),
          pl.BlockSpec((R, D), lambda i: (i, 0)),
          pl.BlockSpec((R, D), lambda i: (i, 0)),
          pl.BlockSpec((R, 1), lambda i: (i, 0)),
          pl.BlockSpec((1, D), lambda i: (0, 0)),
      ],
      out_specs=[
          pl.BlockSpec((R, D), lambda i: (i, 0)),
          pl.BlockSpec((1, D), lambda i: (0, 0)),
          pl.BlockSpec((1, D), lambda i: (0, 0)),
      ],
      out_shape=[
          jax.ShapeDtypeStruct((N, D), jnp.float32),
          jax.ShapeDtypeStruct((1, D), jnp.float32),
          jax.ShapeDtypeStruct((1, D), jnp.float32),
      ],
  )(a0, a1, gs, dinv, b)


def _tc_bn_apply(op, s, q, gamma, beta, R):
  N, D = op.shape
  inv_n = 1.0 / N

  def body(opr, sr, qr, gr, br, out_ref):
    mean = sr[...] * inv_n
    var = qr[...] * inv_n - mean * mean
    istd = lax.rsqrt(var + 1e-5)
    out_ref[...] = (opr[...] - mean) * istd * gr[...] + br[...]

  return pl.pallas_call(
      body,
      grid=(N // R,),
      in_specs=[
          pl.BlockSpec((R, D), lambda i: (i, 0)),
          pl.BlockSpec((1, D), lambda i: (0, 0)),
          pl.BlockSpec((1, D), lambda i: (0, 0)),
          pl.BlockSpec((1, D), lambda i: (0, 0)),
          pl.BlockSpec((1, D), lambda i: (0, 0)),
      ],
      out_specs=pl.BlockSpec((R, D), lambda i: (i, 0)),
      out_shape=jax.ShapeDtypeStruct((N, D), jnp.float32),
  )(op, s, q, gamma, beta)


def kernel(x, edge_index, W1, b1, gamma1, beta1, W2, b2, gamma2, beta2):
  N, _ = x.shape
  E = edge_index.shape[1]
  R = 2000

  n_acc = ((N + NS * 16 - 1) // (NS * 16)) * (NS * 16)

  src = edge_index[0].astype(jnp.int32)
  dst = edge_index[1].astype(jnp.int32)
  pb = (E + NW * EB - 1) // (NW * EB)
  e_pad = NW * pb * EB
  pad = e_pad - E
  src_p = jnp.concatenate([src, jnp.zeros((pad,), jnp.int32)])
  dst_p = jnp.concatenate([dst, jnp.full((pad,), N, jnp.int32)])
  srcw = src_p.reshape(NW, pb, EB)
  dstw = dst_p.reshape(NW, pb, EB)

  degp = _sc_degree(dstw, jnp.ones((EB, DEG_W), jnp.float32),
                    jnp.zeros((16, DEG_W), jnp.float32), n_acc)
  zeros16 = jnp.zeros((16, x.shape[1]), jnp.float32)
  deg0 = degp[0, :N, 0:1]
  deg1 = degp[1, :N, 0:1]

  dinv, xs = _tc_dinv_scale(deg0, deg1, x, R)

  accA = _sc_segment_sum(xs, srcw, dstw, zeros16, n_acc)
  h, s1, q1 = _tc_agg_matmul_stats(
      accA[0, :N], accA[1, :N], xs, dinv, W1, b1.reshape(1, -1), R)

  gs = _tc_bn_relu_matmul_scale(
      h, s1, q1, gamma1.reshape(1, -1), beta1.reshape(1, -1), W2, dinv, R)

  accB = _sc_segment_sum(gs, srcw, dstw, zeros16, n_acc)
  op, s2, q2 = _tc_agg_bias_stats(
      accB[0, :N], accB[1, :N], gs, dinv, b2.reshape(1, -1), R)

  return _tc_bn_apply(op, s2, q2, gamma2.reshape(1, -1), beta2.reshape(1, -1), R)

# --- scband reference (transcript-rebuilt; emitter-appended) ---
"""Pipeline reference for scband-binlex-inner-gnn-4793183502780 (READ-ONLY COPY).

The authoritative reference and input builder live on the scoring server;
editing this copy changes nothing except your own understanding.
"""

import jax, jax.numpy as jnp
import numpy as np

N_NODES = 10000
N_EDGES = 320000
D_IN = 128
D_HID = 256
D_OUT = 128


def setup_inputs(seed: int = 0) -> dict:
    key = jax.random.key(seed)
    ks = jax.random.split(key, 10)
    x = jax.random.normal(ks[0], (N_NODES, D_IN), dtype=jnp.float32)
    edge_index = jax.random.randint(ks[1], (2, N_EDGES), 0, N_NODES, dtype=jnp.int64)
    W1 = jax.random.normal(ks[2], (D_IN, D_HID), dtype=jnp.float32) * (1.0 / np.sqrt(D_IN))
    b1 = jnp.zeros((D_HID,), dtype=jnp.float32)
    gamma1 = jnp.ones((D_HID,), dtype=jnp.float32)
    beta1 = jnp.zeros((D_HID,), dtype=jnp.float32)
    W2 = jax.random.normal(ks[3], (D_HID, D_OUT), dtype=jnp.float32) * (1.0 / np.sqrt(D_HID))
    b2 = jnp.zeros((D_OUT,), dtype=jnp.float32)
    gamma2 = jnp.ones((D_OUT,), dtype=jnp.float32)
    beta2 = jnp.zeros((D_OUT,), dtype=jnp.float32)
    return {"x": x, "edge_index": edge_index, "W1": W1, "b1": b1, "gamma1": gamma1, "beta1": beta1, "W2": W2, "b2": b2, "gamma2": gamma2, "beta2": beta2}


def gcn_conv(x, edge_index, W, b):
    # PyG GCNConv: add self-loops, symmetric normalization, linear, scatter-add to dst
    n = x.shape[0]
    loop = jnp.arange(n, dtype=edge_index.dtype)
    src = jnp.concatenate([edge_index[0], loop])
    dst = jnp.concatenate([edge_index[1], loop])
    deg = jnp.zeros((n,), dtype=x.dtype).at[dst].add(1.0)
    dinv = jnp.where(deg > 0, 1.0 / jnp.sqrt(deg), 0.0)
    norm = dinv[src] * dinv[dst]
    h = x @ W
    msg = h[src] * norm[:, None]
    out = jax.ops.segment_sum(msg, dst, num_segments=n)
    return out + b


def batch_norm(x, gamma, beta, eps=1e-5):
    mean = jnp.mean(x, axis=0)
    var = jnp.mean((x - mean) ** 2, axis=0)
    return (x - mean) / jnp.sqrt(var + eps) * gamma + beta


def reference(x, edge_index, W1, b1, gamma1, beta1, W2, b2, gamma2, beta2):
    h = gcn_conv(x, edge_index, W1, b1)
    h = batch_norm(h, gamma1, beta1)
    h = jax.nn.relu(h)
    # dropout: identity in deterministic/eval reference
    out = gcn_conv(h, edge_index, W2, b2)
    out = batch_norm(out, gamma2, beta2)
    return out

if __name__ == "__main__":
    import jax
    _d = setup_inputs()
    print(jax.jit(kernel)(*tuple(_d.values())))

</pallas_src>

<mosaic_0001>
#map = affine_map<(d0, d1) -> (0, 0, 0)>
#map1 = affine_map<(d0, d1) -> (0, 0)>
module attributes {stable_mosaic.version = 14 : i64} {
  func.func @deg(%arg0: i32, %arg1: i32, %arg2: memref<32x79x128xi32, #tpu.memory_space<hbm>>, %arg3: memref<128x16xf32, #tpu.memory_space<hbm>>, %arg4: memref<16x16xf32, #tpu.memory_space<hbm>>, %arg5: memref<20480x16xf32, #tpu.memory_space<hbm>>, %arg6: memref<79x128xi32, #tpu.memory_space<vmem>>, %arg7: memref<128x16xf32, #tpu.memory_space<vmem>>, %arg8: memref<16x16xf32, #tpu.memory_space<vmem>>, %arg9: memref<10240x16xf32, #tpu.memory_space<vmem_shared>>) attributes {dimension_semantics = [#tpu.dimension_semantics<core_parallel>, #tpu.dimension_semantics<subcore_parallel>], iteration_bounds = array<i64: 2, 16>, scalar_prefetch = 0 : i64, scratch_operands = 4 : i64, tpu.core_type = #tpu.core_type<sc_vector_subcore>, window_params = [{transform_indices = #map}, {transform_indices = #map1}, {transform_indices = #map1}, {transform_indices = #map1}]} {
    %mul3A = arith.constant 2 : i32
    %mul3A_0 = arith.muli %arg1, %mul3A : i32
    %add3A = arith.addi %mul3A_0, %arg0 : i32
    "tpu.region"() ({
      %run_scoped3A = tpu.sem_alloc : memref<!tpu.dma_semaphore, #tpu.memory_space<semaphore_mem>>
      %dma_start3A = arith.constant 0 : i32
      %dma_start3A_18 = arith.constant 0 : i32
      %dma_start3A_19 = tpu.memref_slice %arg2[%add3A, %dma_start3A, %dma_start3A_18] : memref<32x79x128xi32, #tpu.memory_space<hbm>> -> memref<1x79x128xi32, #tpu.memory_space<hbm>>
      %dma_start3A_20 = tpu.memref_squeeze %dma_start3A_19 : memref<1x79x128xi32, #tpu.memory_space<hbm>> -> memref<79x128xi32, #tpu.memory_space<hbm>>
      %dma_start3A_21 = arith.constant 0 : i32
      %dma_start3A_22 = arith.constant 0 : i32
      %dma_start3A_23 = tpu.memref_slice %arg2[%add3A, %dma_start3A_21, %dma_start3A_22] : memref<32x79x128xi32, #tpu.memory_space<hbm>> -> memref<1x79x128xi32, #tpu.memory_space<hbm>>
      %dma_start3A_24 = tpu.memref_squeeze %dma_start3A_23 : memref<1x79x128xi32, #tpu.memory_space<hbm>> -> memref<79x128xi32, #tpu.memory_space<hbm>>
      tpu.enqueue_dma source(%dma_start3A_24 : memref<79x128xi32, #tpu.memory_space<hbm>>) target(%arg6 : memref<79x128xi32, #tpu.memory_space<vmem>>) target_semaphore(%run_scoped3A : memref<!tpu.dma_semaphore, #tpu.memory_space<semaphore_mem>>)
      %dma_wait3A = arith.constant 0 : i32
      %dma_wait3A_25 = arith.constant 0 : i32
      %dma_wait3A_26 = tpu.memref_slice %arg2[%add3A, %dma_wait3A, %dma_wait3A_25] : memref<32x79x128xi32, #tpu.memory_space<hbm>> -> memref<1x79x128xi32, #tpu.memory_space<hbm>>
      %dma_wait3A_27 = tpu.memref_squeeze %dma_wait3A_26 : memref<1x79x128xi32, #tpu.memory_space<hbm>> -> memref<79x128xi32, #tpu.memory_space<hbm>>
      %dma_wait3A_28 = arith.constant 0 : i32
      %dma_wait3A_29 = arith.constant 0 : i32
      %dma_wait3A_30 = tpu.memref_slice %arg2[%add3A, %dma_wait3A_28, %dma_wait3A_29] : memref<32x79x128xi32, #tpu.memory_space<hbm>> -> memref<1x79x128xi32, #tpu.memory_space<hbm>>
      %dma_wait3A_31 = tpu.memref_squeeze %dma_wait3A_30 : memref<1x79x128xi32, #tpu.memory_space<hbm>> -> memref<79x128xi32, #tpu.memory_space<hbm>>
      tpu.wait_dma2 semaphore(%run_scoped3A : memref<!tpu.dma_semaphore, #tpu.memory_space<semaphore_mem>>) src(%dma_wait3A_31 : memref<79x128xi32, #tpu.memory_space<hbm>>) dst(%arg6 : memref<79x128xi32, #tpu.memory_space<vmem>>)
      tpu.yield
    }) : () -> ()
    "tpu.region"() ({
      %run_scoped3A = tpu.sem_alloc : memref<!tpu.dma_semaphore, #tpu.memory_space<semaphore_mem>>
      tpu.enqueue_dma source(%arg3 : memref<128x16xf32, #tpu.memory_space<hbm>>) target(%arg7 : memref<128x16xf32, #tpu.memory_space<vmem>>) target_semaphore(%run_scoped3A : memref<!tpu.dma_semaphore, #tpu.memory_space<semaphore_mem>>)
      tpu.wait_dma2 semaphore(%run_scoped3A : memref<!tpu.dma_semaphore, #tpu.memory_space<semaphore_mem>>) src(%arg3 : memref<128x16xf32, #tpu.memory_space<hbm>>) dst(%arg7 : memref<128x16xf32, #tpu.memory_space<vmem>>)
      tpu.yield
    }) : () -> ()
    "tpu.region"() ({
      %run_scoped3A = tpu.sem_alloc : memref<!tpu.dma_semaphore, #tpu.memory_space<semaphore_mem>>
      tpu.enqueue_dma source(%arg4 : memref<16x16xf32, #tpu.memory_space<hbm>>) target(%arg8 : memref<16x16xf32, #tpu.memory_space<vmem>>) target_semaphore(%run_scoped3A : memref<!tpu.dma_semaphore, #tpu.memory_space<semaphore_mem>>)
      tpu.wait_dma2 semaphore(%run_scoped3A : memref<!tpu.dma_semaphore, #tpu.memory_space<semaphore_mem>>) src(%arg4 : memref<16x16xf32, #tpu.memory_space<hbm>>) dst(%arg8 : memref<16x16xf32, #tpu.memory_space<vmem>>)
      tpu.yield
    }) : () -> ()
    %mul3A_1 = arith.constant 640 : i32
    %mul3A_2 = arith.muli %arg1, %mul3A_1 : i32
    %scan3A = arith.constant 0 : i32
    %scan3A_3 = arith.constant 0 : i32
    %scan3A_4 = arith.constant 40 : i32
    %scan3A_5 = arith.addi %scan3A_3, %scan3A_4 : i32
    %scan3A_6 = arith.constant 1 : i32
    scf.for %scan3A_18 = %scan3A_3 to %scan3A_5 step %scan3A_6  : i32 {
      %mul3A_19 = arith.constant 16 : i32
      %mul3A_20 = arith.muli %scan3A_18, %mul3A_19 : i32
      %add3A_21 = arith.addi %mul3A_2, %mul3A_20 : i32
      "tpu.region"() ({
        %run_scoped3A = tpu.sem_alloc : memref<!tpu.dma_semaphore, #tpu.memory_space<semaphore_mem>>
        %dma_start3A = arith.constant 0 : i32
        %dma_start3A_22 = tpu.memref_slice %arg9[%add3A_21, %dma_start3A] : memref<10240x16xf32, #tpu.memory_space<vmem_shared>> -> memref<16x16xf32, #tpu.memory_space<vmem_shared>>
        %dma_start3A_23 = arith.constant 0 : i32
        %dma_start3A_24 = tpu.memref_slice %arg9[%add3A_21, %dma_start3A_23] : memref<10240x16xf32, #tpu.memory_space<vmem_shared>> -> memref<16x16xf32, #tpu.memory_space<vmem_shared>>
        tpu.enqueue_dma source(%arg8 : memref<16x16xf32, #tpu.memory_space<vmem>>) target(%dma_start3A_24 : memref<16x16xf32, #tpu.memory_space<vmem_shared>>) target_semaphore(%run_scoped3A : memref<!tpu.dma_semaphore, #tpu.memory_space<semaphore_mem>>)
        %dma_wait3A = arith.constant 0 : i32
        %dma_wait3A_25 = tpu.memref_slice %arg9[%add3A_21, %dma_wait3A] : memref<10240x16xf32, #tpu.memory_space<vmem_shared>> -> memref<16x16xf32, #tpu.memory_space<vmem_shared>>
        %dma_wait3A_26 = arith.constant 0 : i32
        %dma_wait3A_27 = tpu.memref_slice %arg9[%add3A_21, %dma_wait3A_26] : memref<10240x16xf32, #tpu.memory_space<vmem_shared>> -> memref<16x16xf32, #tpu.memory_space<vmem_shared>>
        tpu.wait_dma2 semaphore(%run_scoped3A : memref<!tpu.dma_semaphore, #tpu.memory_space<semaphore_mem>>) src(%arg8 : memref<16x16xf32, #tpu.memory_space<vmem>>) dst(%dma_wait3A_27 : memref<16x16xf32, #tpu.memory_space<vmem_shared>>)
        tpu.yield
      }) : () -> ()
    }
    %scan3A_7 = arith.constant 40 : i32
    %barrier3A = arith.constant 0 : index
    tpu.barrier barrier_id(%barrier3A)
    %scan3A_8 = arith.constant 0 : i32
    %scan3A_9 = arith.constant 0 : i32
    %scan3A_10 = arith.constant 79 : i32
    %scan3A_11 = arith.addi %scan3A_9, %scan3A_10 : i32
    %scan3A_12 = arith.constant 1 : i32
    scf.for %scan3A_18 = %scan3A_9 to %scan3A_11 step %scan3A_12  : i32 {
      "tpu.region"() ({
        %run_scoped3A = tpu.sem_alloc : memref<!tpu.dma_semaphore, #tpu.memory_space<semaphore_mem>>
        %dma_start3A = arith.constant 0 : i32
        %dma_start3A_19 = tpu.memref_slice %arg6[%scan3A_18, %dma_start3A] : memref<79x128xi32, #tpu.memory_space<vmem>> -> memref<1x128xi32, #tpu.memory_space<vmem>>
        %dma_start3A_20 = tpu.memref_squeeze %dma_start3A_19 : memref<1x128xi32, #tpu.memory_space<vmem>> -> memref<128xi32, #tpu.memory_space<vmem>>
        %dma_start3A_21 = arith.constant 0 : i32
        %dma_start3A_22 = arith.constant 0 : i32
        %dma_start3A_23 = tpu.memref_slice %arg9[%dma_start3A_21, %dma_start3A_22] : memref<10240x16xf32, #tpu.memory_space<vmem_shared>> -> memref<10240x16xf32, #tpu.memory_space<vmem_shared>>
        tpu.enqueue_indirect_dma source(%arg7 : memref<128x16xf32, #tpu.memory_space<vmem>>) target(%dma_start3A_23 : memref<10240x16xf32, #tpu.memory_space<vmem_shared>>) offsets(%dma_start3A_20 : memref<128xi32, #tpu.memory_space<vmem>>) semaphore(%run_scoped3A : memref<!tpu.dma_semaphore, #tpu.memory_space<semaphore_mem>>) {add = true}
        %dma_wait3A = arith.constant 0 : i32
        %dma_wait3A_24 = tpu.memref_slice %arg6[%scan3A_18, %dma_wait3A] : memref<79x128xi32, #tpu.memory_space<vmem>> -> memref<1x128xi32, #tpu.memory_space<vmem>>
        %dma_wait3A_25 = tpu.memref_squeeze %dma_wait3A_24 : memref<1x128xi32, #tpu.memory_space<vmem>> -> memref<128xi32, #tpu.memory_space<vmem>>
        %dma_wait3A_26 = arith.constant 0 : i32
        %dma_wait3A_27 = arith.constant 0 : i32
        %dma_wait3A_28 = tpu.memref_slice %arg9[%dma_wait3A_26, %dma_wait3A_27] : memref<10240x16xf32, #tpu.memory_space<vmem_shared>> -> memref<10240x16xf32, #tpu.memory_space<vmem_shared>>
        tpu.wait_indirect_dma semaphore(%run_scoped3A : memref<!tpu.dma_semaphore, #tpu.memory_space<semaphore_mem>>) src(%arg7 : memref<128x16xf32, #tpu.memory_space<vmem>>) dst(%dma_wait3A_28 : memref<10240x16xf32, #tpu.memory_space<vmem_shared>>)
        tpu.yield
      }) : () -> ()
    }
    %scan3A_13 = arith.constant 79 : i32
    %barrier3A_14 = arith.constant 0 : index
    tpu.barrier barrier_id(%barrier3A_14)
    %mul3A_15 = arith.constant 10240 : i32
    %mul3A_16 = arith.muli %arg0, %mul3A_15 : i32
    %add3A_17 = arith.addi %mul3A_16, %mul3A_2 : i32
    "tpu.region"() ({
      %run_scoped3A = tpu.sem_alloc : memref<!tpu.dma_semaphore, #tpu.memory_space<semaphore_mem>>
      %dma_start3A = arith.constant 0 : i32
      %dma_start3A_18 = tpu.memref_slice %arg5[%add3A_17, %dma_start3A] : memref<20480x16xf32, #tpu.memory_space<hbm>> -> memref<640x16xf32, #tpu.memory_space<hbm>>
      %dma_start3A_19 = arith.constant 0 : i32
      %dma_start3A_20 = tpu.memref_slice %arg9[%mul3A_2, %dma_start3A_19] : memref<10240x16xf32, #tpu.memory_space<vmem_shared>> -> memref<640x16xf32, #tpu.memory_space<vmem_shared>>
      tpu.enqueue_dma source(%dma_start3A_20 : memref<640x16xf32, #tpu.memory_space<vmem_shared>>) target(%dma_start3A_18 : memref<640x16xf32, #tpu.memory_space<hbm>>) target_semaphore(%run_scoped3A : memref<!tpu.dma_semaphore, #tpu.memory_space<semaphore_mem>>)
      %dma_wait3A = arith.constant 0 : i32
      %dma_wait3A_21 = tpu.memref_slice %arg5[%add3A_17, %dma_wait3A] : memref<20480x16xf32, #tpu.memory_space<hbm>> -> memref<640x16xf32, #tpu.memory_space<hbm>>
      %dma_wait3A_22 = arith.constant 0 : i32
      %dma_wait3A_23 = tpu.memref_slice %arg9[%mul3A_2, %dma_wait3A_22] : memref<10240x16xf32, #tpu.memory_space<vmem_shared>> -> memref<640x16xf32, #tpu.memory_space<vmem_shared>>
      tpu.wait_dma2 semaphore(%run_scoped3A : memref<!tpu.dma_semaphore, #tpu.memory_space<semaphore_mem>>) src(%dma_wait3A_23 : memref<640x16xf32, #tpu.memory_space<vmem_shared>>) dst(%dma_wait3A_21 : memref<640x16xf32, #tpu.memory_space<hbm>>)
      tpu.yield
    }) : () -> ()
    return
  }
}

#map = affine_map<(d0, d1) -> (0, 0)>
#map1 = affine_map<(d0, d1) -> (0, 0, 0)>
module attributes {stable_mosaic.version = 14 : i64} {
  func.func @seg(%arg0: i32, %arg1: i32, %arg2: memref<10000x128xf32, #tpu.memory_space<hbm>>, %arg3: memref<32x79x128xi32, #tpu.memory_space<hbm>>, %arg4: memref<32x79x128xi32, #tpu.memory_space<hbm>>, %arg5: memref<16x128xf32, #tpu.memory_space<hbm>>, %arg6: memref<20480x128xf32, #tpu.memory_space<hbm>>, %arg7: memref<79x128xi32, #tpu.memory_space<vmem>>, %arg8: memref<79x128xi32, #tpu.memory_space<vmem>>, %arg9: memref<128x128xf32, #tpu.memory_space<vmem>>, %arg10: memref<16x128xf32, #tpu.memory_space<vmem>>, %arg11: memref<10240x128xf32, #tpu.memory_space<vmem_shared>>, %arg12: memref<!tpu.dma_semaphore, #tpu.memory_space<semaphore_mem>>) attributes {dimension_semantics = [#tpu.dimension_semantics<core_parallel>, #tpu.dimension_semantics<subcore_parallel>], iteration_bounds = array<i64: 2, 16>, scalar_prefetch = 0 : i64, scratch_operands = 6 : i64, tpu.core_type = #tpu.core_type<sc_vector_subcore>, window_params = [{transform_indices = #map}, {transform_indices = #map1}, {transform_indices = #map1}, {transform_indices = #map}, {transform_indices = #map}]} {
    %mul3A = arith.constant 2 : i32
    %mul3A_0 = arith.muli %arg1, %mul3A : i32
    %add3A = arith.addi %mul3A_0, %arg0 : i32
    "tpu.region"() ({
      %run_scoped3A = tpu.sem_alloc : memref<!tpu.dma_semaphore, #tpu.memory_space<semaphore_mem>>
      %dma_start3A = arith.constant 0 : i32
      %dma_start3A_18 = arith.constant 0 : i32
      %dma_start3A_19 = tpu.memref_slice %arg3[%add3A, %dma_start3A, %dma_start3A_18] : memref<32x79x128xi32, #tpu.memory_space<hbm>> -> memref<1x79x128xi32, #tpu.memory_space<hbm>>
      %dma_start3A_20 = tpu.memref_squeeze %dma_start3A_19 : memref<1x79x128xi32, #tpu.memory_space<hbm>> -> memref<79x128xi32, #tpu.memory_space<hbm>>
      %dma_start3A_21 = arith.constant 0 : i32
      %dma_start3A_22 = arith.constant 0 : i32
      %dma_start3A_23 = tpu.memref_slice %arg3[%add3A, %dma_start3A_21, %dma_start3A_22] : memref<32x79x128xi32, #tpu.memory_space<hbm>> -> memref<1x79x128xi32, #tpu.memory_space<hbm>>
      %dma_start3A_24 = tpu.memref_squeeze %dma_start3A_23 : memref<1x79x128xi32, #tpu.memory_space<hbm>> -> memref<79x128xi32, #tpu.memory_space<hbm>>
      tpu.enqueue_dma source(%dma_start3A_24 : memref<79x128xi32, #tpu.memory_space<hbm>>) target(%arg7 : memref<79x128xi32, #tpu.memory_space<vmem>>) target_semaphore(%run_scoped3A : memref<!tpu.dma_semaphore, #tpu.memory_space<semaphore_mem>>)
      %dma_wait3A = arith.constant 0 : i32
      %dma_wait3A_25 = arith.constant 0 : i32
      %dma_wait3A_26 = tpu.memref_slice %arg3[%add3A, %dma_wait3A, %dma_wait3A_25] : memref<32x79x128xi32, #tpu.memory_space<hbm>> -> memref<1x79x128xi32, #tpu.memory_space<hbm>>
      %dma_wait3A_27 = tpu.memref_squeeze %dma_wait3A_26 : memref<1x79x128xi32, #tpu.memory_space<hbm>> -> memref<79x128xi32, #tpu.memory_space<hbm>>
      %dma_wait3A_28 = arith.constant 0 : i32
      %dma_wait3A_29 = arith.constant 0 : i32
      %dma_wait3A_30 = tpu.memref_slice %arg3[%add3A, %dma_wait3A_28, %dma_wait3A_29] : memref<32x79x128xi32, #tpu.memory_space<hbm>> -> memref<1x79x128xi32, #tpu.memory_space<hbm>>
      %dma_wait3A_31 = tpu.memref_squeeze %dma_wait3A_30 : memref<1x79x128xi32, #tpu.memory_space<hbm>> -> memref<79x128xi32, #tpu.memory_space<hbm>>
      tpu.wait_dma2 semaphore(%run_scoped3A : memref<!tpu.dma_semaphore, #tpu.memory_space<semaphore_mem>>) src(%dma_wait3A_31 : memref<79x128xi32, #tpu.memory_space<hbm>>) dst(%arg7 : memref<79x128xi32, #tpu.memory_space<vmem>>)
      tpu.yield
    }) : () -> ()
    "tpu.region"() ({
      %run_scoped3A = tpu.sem_alloc : memref<!tpu.dma_semaphore, #tpu.memory_space<semaphore_mem>>
      %dma_start3A = arith.constant 0 : i32
      %dma_start3A_18 = arith.constant 0 : i32
      %dma_start3A_19 = tpu.memref_slice %arg4[%add3A, %dma_start3A, %dma_start3A_18] : memref<32x79x128xi32, #tpu.memory_space<hbm>> -> memref<1x79x128xi32, #tpu.memory_space<hbm>>
      %dma_start3A_20 = tpu.memref_squeeze %dma_start3A_19 : memref<1x79x128xi32, #tpu.memory_space<hbm>> -> memref<79x128xi32, #tpu.memory_space<hbm>>
      %dma_start3A_21 = arith.constant 0 : i32
      %dma_start3A_22 = arith.constant 0 : i32
      %dma_start3A_23 = tpu.memref_slice %arg4[%add3A, %dma_start3A_21, %dma_start3A_22] : memref<32x79x128xi32, #tpu.memory_space<hbm>> -> memref<1x79x128xi32, #tpu.memory_space<hbm>>
      %dma_start3A_24 = tpu.memref_squeeze %dma_start3A_23 : memref<1x79x128xi32, #tpu.memory_space<hbm>> -> memref<79x128xi32, #tpu.memory_space<hbm>>
      tpu.enqueue_dma source(%dma_start3A_24 : memref<79x128xi32, #tpu.memory_space<hbm>>) target(%arg8 : memref<79x128xi32, #tpu.memory_space<vmem>>) target_semaphore(%run_scoped3A : memref<!tpu.dma_semaphore, #tpu.memory_space<semaphore_mem>>)
      %dma_wait3A = arith.constant 0 : i32
      %dma_wait3A_25 = arith.constant 0 : i32
      %dma_wait3A_26 = tpu.memref_slice %arg4[%add3A, %dma_wait3A, %dma_wait3A_25] : memref<32x79x128xi32, #tpu.memory_space<hbm>> -> memref<1x79x128xi32, #tpu.memory_space<hbm>>
      %dma_wait3A_27 = tpu.memref_squeeze %dma_wait3A_26 : memref<1x79x128xi32, #tpu.memory_space<hbm>> -> memref<79x128xi32, #tpu.memory_space<hbm>>
      %dma_wait3A_28 = arith.constant 0 : i32
      %dma_wait3A_29 = arith.constant 0 : i32
      %dma_wait3A_30 = tpu.memref_slice %arg4[%add3A, %dma_wait3A_28, %dma_wait3A_29] : memref<32x79x128xi32, #tpu.memory_space<hbm>> -> memref<1x79x128xi32, #tpu.memory_space<hbm>>
      %dma_wait3A_31 = tpu.memref_squeeze %dma_wait3A_30 : memref<1x79x128xi32, #tpu.memory_space<hbm>> -> memref<79x128xi32, #tpu.memory_space<hbm>>
      tpu.wait_dma2 semaphore(%run_scoped3A : memref<!tpu.dma_semaphore, #tpu.memory_space<semaphore_mem>>) src(%dma_wait3A_31 : memref<79x128xi32, #tpu.memory_space<hbm>>) dst(%arg8 : memref<79x128xi32, #tpu.memory_space<vmem>>)
      tpu.yield
    }) : () -> ()
    "tpu.region"() ({
      %run_scoped3A = tpu.sem_alloc : memref<!tpu.dma_semaphore, #tpu.memory_space<semaphore_mem>>
      tpu.enqueue_dma source(%arg5 : memref<16x128xf32, #tpu.memory_space<hbm>>) target(%arg10 : memref<16x128xf32, #tpu.memory_space<vmem>>) target_semaphore(%run_scoped3A : memref<!tpu.dma_semaphore, #tpu.memory_space<semaphore_mem>>)
      tpu.wait_dma2 semaphore(%run_scoped3A : memref<!tpu.dma_semaphore, #tpu.memory_space<semaphore_mem>>) src(%arg5 : memref<16x128xf32, #tpu.memory_space<hbm>>) dst(%arg10 : memref<16x128xf32, #tpu.memory_space<vmem>>)
      tpu.yield
    }) : () -> ()
    %mul3A_1 = arith.constant 640 : i32
    %mul3A_2 = arith.muli %arg1, %mul3A_1 : i32
    %scan3A = arith.constant 0 : i32
    %scan3A_3 = arith.constant 0 : i32
    %scan3A_4 = arith.constant 40 : i32
    %scan3A_5 = arith.addi %scan3A_3, %scan3A_4 : i32
    %scan3A_6 = arith.constant 1 : i32
    scf.for %scan3A_18 = %scan3A_3 to %scan3A_5 step %scan3A_6  : i32 {
      %mul3A_19 = arith.constant 16 : i32
      %mul3A_20 = arith.muli %scan3A_18, %mul3A_19 : i32
      %add3A_21 = arith.addi %mul3A_2, %mul3A_20 : i32
      "tpu.region"() ({
        %run_scoped3A = tpu.sem_alloc : memref<!tpu.dma_semaphore, #tpu.memory_space<semaphore_mem>>
        %dma_start3A = arith.constant 0 : i32
        %dma_start3A_22 = tpu.memref_slice %arg11[%add3A_21, %dma_start3A] : memref<10240x128xf32, #tpu.memory_space<vmem_shared>> -> memref<16x128xf32, #tpu.memory_space<vmem_shared>>
        %dma_start3A_23 = arith.constant 0 : i32
        %dma_start3A_24 = tpu.memref_slice %arg11[%add3A_21, %dma_start3A_23] : memref<10240x128xf32, #tpu.memory_space<vmem_shared>> -> memref<16x128xf32, #tpu.memory_space<vmem_shared>>
        tpu.enqueue_dma source(%arg10 : memref<16x128xf32, #tpu.memory_space<vmem>>) target(%dma_start3A_24 : memref<16x128xf32, #tpu.memory_space<vmem_shared>>) target_semaphore(%run_scoped3A : memref<!tpu.dma_semaphore, #tpu.memory_space<semaphore_mem>>)
        %dma_wait3A = arith.constant 0 : i32
        %dma_wait3A_25 = tpu.memref_slice %arg11[%add3A_21, %dma_wait3A] : memref<10240x128xf32, #tpu.memory_space<vmem_shared>> -> memref<16x128xf32, #tpu.memory_space<vmem_shared>>
        %dma_wait3A_26 = arith.constant 0 : i32
        %dma_wait3A_27 = tpu.memref_slice %arg11[%add3A_21, %dma_wait3A_26] : memref<10240x128xf32, #tpu.memory_space<vmem_shared>> -> memref<16x128xf32, #tpu.memory_space<vmem_shared>>
        tpu.wait_dma2 semaphore(%run_scoped3A : memref<!tpu.dma_semaphore, #tpu.memory_space<semaphore_mem>>) src(%arg10 : memref<16x128xf32, #tpu.memory_space<vmem>>) dst(%dma_wait3A_27 : memref<16x128xf32, #tpu.memory_space<vmem_shared>>)
        tpu.yield
      }) : () -> ()
    }
    %scan3A_7 = arith.constant 40 : i32
    %barrier3A = arith.constant 0 : index
    tpu.barrier barrier_id(%barrier3A)
    %scan3A_8 = arith.constant 0 : i32
    %scan3A_9 = arith.constant 0 : i32
    %scan3A_10 = arith.constant 79 : i32
    %scan3A_11 = arith.addi %scan3A_9, %scan3A_10 : i32
    %scan3A_12 = arith.constant 1 : i32
    scf.for %scan3A_18 = %scan3A_9 to %scan3A_11 step %scan3A_12  : i32 {
      %dma_start3A = arith.constant 0 : i32
      %dma_start3A_19 = tpu.memref_slice %arg7[%scan3A_18, %dma_start3A] : memref<79x128xi32, #tpu.memory_space<vmem>> -> memref<1x128xi32, #tpu.memory_space<vmem>>
      %dma_start3A_20 = tpu.memref_squeeze %dma_start3A_19 : memref<1x128xi32, #tpu.memory_space<vmem>> -> memref<128xi32, #tpu.memory_space<vmem>>
      %dma_start3A_21 = arith.constant 0 : i32
      %dma_start3A_22 = arith.constant 0 : i32
      %dma_start3A_23 = tpu.memref_slice %arg2[%dma_start3A_21, %dma_start3A_22] : memref<10000x128xf32, #tpu.memory_space<hbm>> -> memref<10000x128xf32, #tpu.memory_space<hbm>>
      tpu.enqueue_indirect_dma source(%dma_start3A_23 : memref<10000x128xf32, #tpu.memory_space<hbm>>) target(%arg9 : memref<128x128xf32, #tpu.memory_space<vmem>>) offsets(%dma_start3A_20 : memref<128xi32, #tpu.memory_space<vmem>>) semaphore(%arg12 : memref<!tpu.dma_semaphore, #tpu.memory_space<semaphore_mem>>)
      %dma_wait3A = arith.constant 0 : i32
      %dma_wait3A_24 = tpu.memref_slice %arg7[%scan3A_18, %dma_wait3A] : memref<79x128xi32, #tpu.memory_space<vmem>> -> memref<1x128xi32, #tpu.memory_space<vmem>>
      %dma_wait3A_25 = tpu.memref_squeeze %dma_wait3A_24 : memref<1x128xi32, #tpu.memory_space<vmem>> -> memref<128xi32, #tpu.memory_space<vmem>>
      %dma_wait3A_26 = arith.constant 0 : i32
      %dma_wait3A_27 = arith.constant 0 : i32
      %dma_wait3A_28 = tpu.memref_slice %arg2[%dma_wait3A_26, %dma_wait3A_27] : memref<10000x128xf32, #tpu.memory_space<hbm>> -> memref<10000x128xf32, #tpu.memory_space<hbm>>
      tpu.wait_indirect_dma semaphore(%arg12 : memref<!tpu.dma_semaphore, #tpu.memory_space<semaphore_mem>>) src(%dma_wait3A_28 : memref<10000x128xf32, #tpu.memory_space<hbm>>) dst(%arg9 : memref<128x128xf32, #tpu.memory_space<vmem>>)
      "tpu.region"() ({
        %run_scoped3A = tpu.sem_alloc : memref<!tpu.dma_semaphore, #tpu.memory_space<semaphore_mem>>
        %dma_start3A_29 = arith.constant 0 : i32
        %dma_start3A_30 = tpu.memref_slice %arg8[%scan3A_18, %dma_start3A_29] : memref<79x128xi32, #tpu.memory_space<vmem>> -> memref<1x128xi32, #tpu.memory_space<vmem>>
        %dma_start3A_31 = tpu.memref_squeeze %dma_start3A_30 : memref<1x128xi32, #tpu.memory_space<vmem>> -> memref<128xi32, #tpu.memory_space<vmem>>
        %dma_start3A_32 = arith.constant 0 : i32
        %dma_start3A_33 = arith.constant 0 : i32
        %dma_start3A_34 = tpu.memref_slice %arg11[%dma_start3A_32, %dma_start3A_33] : memref<10240x128xf32, #tpu.memory_space<vmem_shared>> -> memref<10240x128xf32, #tpu.memory_space<vmem_shared>>
        tpu.enqueue_indirect_dma source(%arg9 : memref<128x128xf32, #tpu.memory_space<vmem>>) target(%dma_start3A_34 : memref<10240x128xf32, #tpu.memory_space<vmem_shared>>) offsets(%dma_start3A_31 : memref<128xi32, #tpu.memory_space<vmem>>) semaphore(%run_scoped3A : memref<!tpu.dma_semaphore, #tpu.memory_space<semaphore_mem>>) {add = true}
        %dma_wait3A_35 = arith.constant 0 : i32
        %dma_wait3A_36 = tpu.memref_slice %arg8[%scan3A_18, %dma_wait3A_35] : memref<79x128xi32, #tpu.memory_space<vmem>> -> memref<1x128xi32, #tpu.memory_space<vmem>>
        %dma_wait3A_37 = tpu.memref_squeeze %dma_wait3A_36 : memref<1x128xi32, #tpu.memory_space<vmem>> -> memref<128xi32, #tpu.memory_space<vmem>>
        %dma_wait3A_38 = arith.constant 0 : i32
        %dma_wait3A_39 = arith.constant 0 : i32
        %dma_wait3A_40 = tpu.memref_slice %arg11[%dma_wait3A_38, %dma_wait3A_39] : memref<10240x128xf32, #tpu.memory_space<vmem_shared>> -> memref<10240x128xf32, #tpu.memory_space<vmem_shared>>
        tpu.wait_indirect_dma semaphore(%run_scoped3A : memref<!tpu.dma_semaphore, #tpu.memory_space<semaphore_mem>>) src(%arg9 : memref<128x128xf32, #tpu.memory_space<vmem>>) dst(%dma_wait3A_40 : memref<10240x128xf32, #tpu.memory_space<vmem_shared>>)
        tpu.yield
      }) : () -> ()
    }
    %scan3A_13 = arith.constant 79 : i32
    %barrier3A_14 = arith.constant 0 : index
    tpu.barrier barrier_id(%barrier3A_14)
    %mul3A_15 = arith.constant 10240 : i32
    %mul3A_16 = arith.muli %arg0, %mul3A_15 : i32
    %add3A_17 = arith.addi %mul3A_16, %mul3A_2 : i32
    "tpu.region"() ({
      %run_scoped3A = tpu.sem_alloc : memref<!tpu.dma_semaphore, #tpu.memory_space<semaphore_mem>>
      %dma_start3A = arith.constant 0 : i32
      %dma_start3A_18 = tpu.memref_slice %arg6[%add3A_17, %dma_start3A] : memref<20480x128xf32, #tpu.memory_space<hbm>> -> memref<640x128xf32, #tpu.memory_space<hbm>>
      %dma_start3A_19 = arith.constant 0 : i32
      %dma_start3A_20 = tpu.memref_slice %arg11[%mul3A_2, %dma_start3A_19] : memref<10240x128xf32, #tpu.memory_space<vmem_shared>> -> memref<640x128xf32, #tpu.memory_space<vmem_shared>>
      tpu.enqueue_dma source(%dma_start3A_20 : memref<640x128xf32, #tpu.memory_space<vmem_shared>>) target(%dma_start3A_18 : memref<640x128xf32, #tpu.memory_space<hbm>>) target_semaphore(%run_scoped3A : memref<!tpu.dma_semaphore, #tpu.memory_space<semaphore_mem>>)
      %dma_wait3A = arith.constant 0 : i32
      %dma_wait3A_21 = tpu.memref_slice %arg6[%add3A_17, %dma_wait3A] : memref<20480x128xf32, #tpu.memory_space<hbm>> -> memref<640x128xf32, #tpu.memory_space<hbm>>
      %dma_wait3A_22 = arith.constant 0 : i32
      %dma_wait3A_23 = tpu.memref_slice %arg11[%mul3A_2, %dma_wait3A_22] : memref<10240x128xf32, #tpu.memory_space<vmem_shared>> -> memref<640x128xf32, #tpu.memory_space<vmem_shared>>
      tpu.wait_dma2 semaphore(%run_scoped3A : memref<!tpu.dma_semaphore, #tpu.memory_space<semaphore_mem>>) src(%dma_wait3A_23 : memref<640x128xf32, #tpu.memory_space<vmem_shared>>) dst(%dma_wait3A_21 : memref<640x128xf32, #tpu.memory_space<hbm>>)
      tpu.yield
    }) : () -> ()
    return
  }
}

#map = affine_map<(d0, d1) -> (0, 0)>
#map1 = affine_map<(d0, d1) -> (0, 0, 0)>
module attributes {stable_mosaic.version = 14 : i64} {
  func.func @seg(%arg0: i32, %arg1: i32, %arg2: memref<10000x128xf32, #tpu.memory_space<hbm>>, %arg3: memref<32x79x128xi32, #tpu.memory_space<hbm>>, %arg4: memref<32x79x128xi32, #tpu.memory_space<hbm>>, %arg5: memref<16x128xf32, #tpu.memory_space<hbm>>, %arg6: memref<20480x128xf32, #tpu.memory_space<hbm>>, %arg7: memref<79x128xi32, #tpu.memory_space<vmem>>, %arg8: memref<79x128xi32, #tpu.memory_space<vmem>>, %arg9: memref<128x128xf32, #tpu.memory_space<vmem>>, %arg10: memref<16x128xf32, #tpu.memory_space<vmem>>, %arg11: memref<10240x128xf32, #tpu.memory_space<vmem_shared>>, %arg12: memref<!tpu.dma_semaphore, #tpu.memory_space<semaphore_mem>>) attributes {dimension_semantics = [#tpu.dimension_semantics<core_parallel>, #tpu.dimension_semantics<subcore_parallel>], iteration_bounds = array<i64: 2, 16>, scalar_prefetch = 0 : i64, scratch_operands = 6 : i64, tpu.core_type = #tpu.core_type<sc_vector_subcore>, window_params = [{transform_indices = #map}, {transform_indices = #map1}, {transform_indices = #map1}, {transform_indices = #map}, {transform_indices = #map}]} {
    %mul3A = arith.constant 2 : i32
    %mul3A_0 = arith.muli %arg1, %mul3A : i32
    %add3A = arith.addi %mul3A_0, %arg0 : i32
    "tpu.region"() ({
      %run_scoped3A = tpu.sem_alloc : memref<!tpu.dma_semaphore, #tpu.memory_space<semaphore_mem>>
      %dma_start3A = arith.constant 0 : i32
      %dma_start3A_18 = arith.constant 0 : i32
      %dma_start3A_19 = tpu.memref_slice %arg3[%add3A, %dma_start3A, %dma_start3A_18] : memref<32x79x128xi32, #tpu.memory_space<hbm>> -> memref<1x79x128xi32, #tpu.memory_space<hbm>>
      %dma_start3A_20 = tpu.memref_squeeze %dma_start3A_19 : memref<1x79x128xi32, #tpu.memory_space<hbm>> -> memref<79x128xi32, #tpu.memory_space<hbm>>
      %dma_start3A_21 = arith.constant 0 : i32
      %dma_start3A_22 = arith.constant 0 : i32
      %dma_start3A_23 = tpu.memref_slice %arg3[%add3A, %dma_start3A_21, %dma_start3A_22] : memref<32x79x128xi32, #tpu.memory_space<hbm>> -> memref<1x79x128xi32, #tpu.memory_space<hbm>>
      %dma_start3A_24 = tpu.memref_squeeze %dma_start3A_23 : memref<1x79x128xi32, #tpu.memory_space<hbm>> -> memref<79x128xi32, #tpu.memory_space<hbm>>
      tpu.enqueue_dma source(%dma_start3A_24 : memref<79x128xi32, #tpu.memory_space<hbm>>) target(%arg7 : memref<79x128xi32, #tpu.memory_space<vmem>>) target_semaphore(%run_scoped3A : memref<!tpu.dma_semaphore, #tpu.memory_space<semaphore_mem>>)
      %dma_wait3A = arith.constant 0 : i32
      %dma_wait3A_25 = arith.constant 0 : i32
      %dma_wait3A_26 = tpu.memref_slice %arg3[%add3A, %dma_wait3A, %dma_wait3A_25] : memref<32x79x128xi32, #tpu.memory_space<hbm>> -> memref<1x79x128xi32, #tpu.memory_space<hbm>>
      %dma_wait3A_27 = tpu.memref_squeeze %dma_wait3A_26 : memref<1x79x128xi32, #tpu.memory_space<hbm>> -> memref<79x128xi32, #tpu.memory_space<hbm>>
      %dma_wait3A_28 = arith.constant 0 : i32
      %dma_wait3A_29 = arith.constant 0 : i32
      %dma_wait3A_30 = tpu.memref_slice %arg3[%add3A, %dma_wait3A_28, %dma_wait3A_29] : memref<32x79x128xi32, #tpu.memory_space<hbm>> -> memref<1x79x128xi32, #tpu.memory_space<hbm>>
      %dma_wait3A_31 = tpu.memref_squeeze %dma_wait3A_30 : memref<1x79x128xi32, #tpu.memory_space<hbm>> -> memref<79x128xi32, #tpu.memory_space<hbm>>
      tpu.wait_dma2 semaphore(%run_scoped3A : memref<!tpu.dma_semaphore, #tpu.memory_space<semaphore_mem>>) src(%dma_wait3A_31 : memref<79x128xi32, #tpu.memory_space<hbm>>) dst(%arg7 : memref<79x128xi32, #tpu.memory_space<vmem>>)
      tpu.yield
    }) : () -> ()
    "tpu.region"() ({
      %run_scoped3A = tpu.sem_alloc : memref<!tpu.dma_semaphore, #tpu.memory_space<semaphore_mem>>
      %dma_start3A = arith.constant 0 : i32
      %dma_start3A_18 = arith.constant 0 : i32
      %dma_start3A_19 = tpu.memref_slice %arg4[%add3A, %dma_start3A, %dma_start3A_18] : memref<32x79x128xi32, #tpu.memory_space<hbm>> -> memref<1x79x128xi32, #tpu.memory_space<hbm>>
      %dma_start3A_20 = tpu.memref_squeeze %dma_start3A_19 : memref<1x79x128xi32, #tpu.memory_space<hbm>> -> memref<79x128xi32, #tpu.memory_space<hbm>>
      %dma_start3A_21 = arith.constant 0 : i32
      %dma_start3A_22 = arith.constant 0 : i32
      %dma_start3A_23 = tpu.memref_slice %arg4[%add3A, %dma_start3A_21, %dma_start3A_22] : memref<32x79x128xi32, #tpu.memory_space<hbm>> -> memref<1x79x128xi32, #tpu.memory_space<hbm>>
      %dma_start3A_24 = tpu.memref_squeeze %dma_start3A_23 : memref<1x79x128xi32, #tpu.memory_space<hbm>> -> memref<79x128xi32, #tpu.memory_space<hbm>>
      tpu.enqueue_dma source(%dma_start3A_24 : memref<79x128xi32, #tpu.memory_space<hbm>>) target(%arg8 : memref<79x128xi32, #tpu.memory_space<vmem>>) target_semaphore(%run_scoped3A : memref<!tpu.dma_semaphore, #tpu.memory_space<semaphore_mem>>)
      %dma_wait3A = arith.constant 0 : i32
      %dma_wait3A_25 = arith.constant 0 : i32
      %dma_wait3A_26 = tpu.memref_slice %arg4[%add3A, %dma_wait3A, %dma_wait3A_25] : memref<32x79x128xi32, #tpu.memory_space<hbm>> -> memref<1x79x128xi32, #tpu.memory_space<hbm>>
      %dma_wait3A_27 = tpu.memref_squeeze %dma_wait3A_26 : memref<1x79x128xi32, #tpu.memory_space<hbm>> -> memref<79x128xi32, #tpu.memory_space<hbm>>
      %dma_wait3A_28 = arith.constant 0 : i32
      %dma_wait3A_29 = arith.constant 0 : i32
      %dma_wait3A_30 = tpu.memref_slice %arg4[%add3A, %dma_wait3A_28, %dma_wait3A_29] : memref<32x79x128xi32, #tpu.memory_space<hbm>> -> memref<1x79x128xi32, #tpu.memory_space<hbm>>
      %dma_wait3A_31 = tpu.memref_squeeze %dma_wait3A_30 : memref<1x79x128xi32, #tpu.memory_space<hbm>> -> memref<79x128xi32, #tpu.memory_space<hbm>>
      tpu.wait_dma2 semaphore(%run_scoped3A : memref<!tpu.dma_semaphore, #tpu.memory_space<semaphore_mem>>) src(%dma_wait3A_31 : memref<79x128xi32, #tpu.memory_space<hbm>>) dst(%arg8 : memref<79x128xi32, #tpu.memory_space<vmem>>)
      tpu.yield
    }) : () -> ()
    "tpu.region"() ({
      %run_scoped3A = tpu.sem_alloc : memref<!tpu.dma_semaphore, #tpu.memory_space<semaphore_mem>>
      tpu.enqueue_dma source(%arg5 : memref<16x128xf32, #tpu.memory_space<hbm>>) target(%arg10 : memref<16x128xf32, #tpu.memory_space<vmem>>) target_semaphore(%run_scoped3A : memref<!tpu.dma_semaphore, #tpu.memory_space<semaphore_mem>>)
      tpu.wait_dma2 semaphore(%run_scoped3A : memref<!tpu.dma_semaphore, #tpu.memory_space<semaphore_mem>>) src(%arg5 : memref<16x128xf32, #tpu.memory_space<hbm>>) dst(%arg10 : memref<16x128xf32, #tpu.memory_space<vmem>>)
      tpu.yield
    }) : () -> ()
    %mul3A_1 = arith.constant 640 : i32
    %mul3A_2 = arith.muli %arg1, %mul3A_1 : i32
    %scan3A = arith.constant 0 : i32
    %scan3A_3 = arith.constant 0 : i32
    %scan3A_4 = arith.constant 40 : i32
    %scan3A_5 = arith.addi %scan3A_3, %scan3A_4 : i32
    %scan3A_6 = arith.constant 1 : i32
    scf.for %scan3A_18 = %scan3A_3 to %scan3A_5 step %scan3A_6  : i32 {
      %mul3A_19 = arith.constant 16 : i32
      %mul3A_20 = arith.muli %scan3A_18, %mul3A_19 : i32
      %add3A_21 = arith.addi %mul3A_2, %mul3A_20 : i32
      "tpu.region"() ({
        %run_scoped3A = tpu.sem_alloc : memref<!tpu.dma_semaphore, #tpu.memory_space<semaphore_mem>>
        %dma_start3A = arith.constant 0 : i32
        %dma_start3A_22 = tpu.memref_slice %arg11[%add3A_21, %dma_start3A] : memref<10240x128xf32, #tpu.memory_space<vmem_shared>> -> memref<16x128xf32, #tpu.memory_space<vmem_shared>>
        %dma_start3A_23 = arith.constant 0 : i32
        %dma_start3A_24 = tpu.memref_slice %arg11[%add3A_21, %dma_start3A_23] : memref<10240x128xf32, #tpu.memory_space<vmem_shared>> -> memref<16x128xf32, #tpu.memory_space<vmem_shared>>
        tpu.enqueue_dma source(%arg10 : memref<16x128xf32, #tpu.memory_space<vmem>>) target(%dma_start3A_24 : memref<16x128xf32, #tpu.memory_space<vmem_shared>>) target_semaphore(%run_scoped3A : memref<!tpu.dma_semaphore, #tpu.memory_space<semaphore_mem>>)
        %dma_wait3A = arith.constant 0 : i32
        %dma_wait3A_25 = tpu.memref_slice %arg11[%add3A_21, %dma_wait3A] : memref<10240x128xf32, #tpu.memory_space<vmem_shared>> -> memref<16x128xf32, #tpu.memory_space<vmem_shared>>
        %dma_wait3A_26 = arith.constant 0 : i32
        %dma_wait3A_27 = tpu.memref_slice %arg11[%add3A_21, %dma_wait3A_26] : memref<10240x128xf32, #tpu.memory_space<vmem_shared>> -> memref<16x128xf32, #tpu.memory_space<vmem_shared>>
        tpu.wait_dma2 semaphore(%run_scoped3A : memref<!tpu.dma_semaphore, #tpu.memory_space<semaphore_mem>>) src(%arg10 : memref<16x128xf32, #tpu.memory_space<vmem>>) dst(%dma_wait3A_27 : memref<16x128xf32, #tpu.memory_space<vmem_shared>>)
        tpu.yield
      }) : () -> ()
    }
    %scan3A_7 = arith.constant 40 : i32
    %barrier3A = arith.constant 0 : index
    tpu.barrier barrier_id(%barrier3A)
    %scan3A_8 = arith.constant 0 : i32
    %scan3A_9 = arith.constant 0 : i32
    %scan3A_10 = arith.constant 79 : i32
    %scan3A_11 = arith.addi %scan3A_9, %scan3A_10 : i32
    %scan3A_12 = arith.constant 1 : i32
    scf.for %scan3A_18 = %scan3A_9 to %scan3A_11 step %scan3A_12  : i32 {
      %dma_start3A = arith.constant 0 : i32
      %dma_start3A_19 = tpu.memref_slice %arg7[%scan3A_18, %dma_start3A] : memref<79x128xi32, #tpu.memory_space<vmem>> -> memref<1x128xi32, #tpu.memory_space<vmem>>
      %dma_start3A_20 = tpu.memref_squeeze %dma_start3A_19 : memref<1x128xi32, #tpu.memory_space<vmem>> -> memref<128xi32, #tpu.memory_space<vmem>>
      %dma_start3A_21 = arith.constant 0 : i32
      %dma_start3A_22 = arith.constant 0 : i32
      %dma_start3A_23 = tpu.memref_slice %arg2[%dma_start3A_21, %dma_start3A_22] : memref<10000x128xf32, #tpu.memory_space<hbm>> -> memref<10000x128xf32, #tpu.memory_space<hbm>>
      tpu.enqueue_indirect_dma source(%dma_start3A_23 : memref<10000x128xf32, #tpu.memory_space<hbm>>) target(%arg9 : memref<128x128xf32, #tpu.memory_space<vmem>>) offsets(%dma_start3A_20 : memref<128xi32, #tpu.memory_space<vmem>>) semaphore(%arg12 : memref<!tpu.dma_semaphore, #tpu.memory_space<semaphore_mem>>)
      %dma_wait3A = arith.constant 0 : i32
      %dma_wait3A_24 = tpu.memref_slice %arg7[%scan3A_18, %dma_wait3A] : memref<79x128xi32, #tpu.memory_space<vmem>> -> memref<1x128xi32, #tpu.memory_space<vmem>>
      %dma_wait3A_25 = tpu.memref_squeeze %dma_wait3A_24 : memref<1x128xi32, #tpu.memory_space<vmem>> -> memref<128xi32, #tpu.memory_space<vmem>>
      %dma_wait3A_26 = arith.constant 0 : i32
      %dma_wait3A_27 = arith.constant 0 : i32
      %dma_wait3A_28 = tpu.memref_slice %arg2[%dma_wait3A_26, %dma_wait3A_27] : memref<10000x128xf32, #tpu.memory_space<hbm>> -> memref<10000x128xf32, #tpu.memory_space<hbm>>
      tpu.wait_indirect_dma semaphore(%arg12 : memref<!tpu.dma_semaphore, #tpu.memory_space<semaphore_mem>>) src(%dma_wait3A_28 : memref<10000x128xf32, #tpu.memory_space<hbm>>) dst(%arg9 : memref<128x128xf32, #tpu.memory_space<vmem>>)
      "tpu.region"() ({
        %run_scoped3A = tpu.sem_alloc : memref<!tpu.dma_semaphore, #tpu.memory_space<semaphore_mem>>
        %dma_start3A_29 = arith.constant 0 : i32
        %dma_start3A_30 = tpu.memref_slice %arg8[%scan3A_18, %dma_start3A_29] : memref<79x128xi32, #tpu.memory_space<vmem>> -> memref<1x128xi32, #tpu.memory_space<vmem>>
        %dma_start3A_31 = tpu.memref_squeeze %dma_start3A_30 : memref<1x128xi32, #tpu.memory_space<vmem>> -> memref<128xi32, #tpu.memory_space<vmem>>
        %dma_start3A_32 = arith.constant 0 : i32
        %dma_start3A_33 = arith.constant 0 : i32
        %dma_start3A_34 = tpu.memref_slice %arg11[%dma_start3A_32, %dma_start3A_33] : memref<10240x128xf32, #tpu.memory_space<vmem_shared>> -> memref<10240x128xf32, #tpu.memory_space<vmem_shared>>
        tpu.enqueue_indirect_dma source(%arg9 : memref<128x128xf32, #tpu.memory_space<vmem>>) target(%dma_start3A_34 : memref<10240x128xf32, #tpu.memory_space<vmem_shared>>) offsets(%dma_start3A_31 : memref<128xi32, #tpu.memory_space<vmem>>) semaphore(%run_scoped3A : memref<!tpu.dma_semaphore, #tpu.memory_space<semaphore_mem>>) {add = true}
        %dma_wait3A_35 = arith.constant 0 : i32
        %dma_wait3A_36 = tpu.memref_slice %arg8[%scan3A_18, %dma_wait3A_35] : memref<79x128xi32, #tpu.memory_space<vmem>> -> memref<1x128xi32, #tpu.memory_space<vmem>>
        %dma_wait3A_37 = tpu.memref_squeeze %dma_wait3A_36 : memref<1x128xi32, #tpu.memory_space<vmem>> -> memref<128xi32, #tpu.memory_space<vmem>>
        %dma_wait3A_38 = arith.constant 0 : i32
        %dma_wait3A_39 = arith.constant 0 : i32
        %dma_wait3A_40 = tpu.memref_slice %arg11[%dma_wait3A_38, %dma_wait3A_39] : memref<10240x128xf32, #tpu.memory_space<vmem_shared>> -> memref<10240x128xf32, #tpu.memory_space<vmem_shared>>
        tpu.wait_indirect_dma semaphore(%run_scoped3A : memref<!tpu.dma_semaphore, #tpu.memory_space<semaphore_mem>>) src(%arg9 : memref<128x128xf32, #tpu.memory_space<vmem>>) dst(%dma_wait3A_40 : memref<10240x128xf32, #tpu.memory_space<vmem_shared>>)
        tpu.yield
      }) : () -> ()
    }
    %scan3A_13 = arith.constant 79 : i32
    %barrier3A_14 = arith.constant 0 : index
    tpu.barrier barrier_id(%barrier3A_14)
    %mul3A_15 = arith.constant 10240 : i32
    %mul3A_16 = arith.muli %arg0, %mul3A_15 : i32
    %add3A_17 = arith.addi %mul3A_16, %mul3A_2 : i32
    "tpu.region"() ({
      %run_scoped3A = tpu.sem_alloc : memref<!tpu.dma_semaphore, #tpu.memory_space<semaphore_mem>>
      %dma_start3A = arith.constant 0 : i32
      %dma_start3A_18 = tpu.memref_slice %arg6[%add3A_17, %dma_start3A] : memref<20480x128xf32, #tpu.memory_space<hbm>> -> memref<640x128xf32, #tpu.memory_space<hbm>>
      %dma_start3A_19 = arith.constant 0 : i32
      %dma_start3A_20 = tpu.memref_slice %arg11[%mul3A_2, %dma_start3A_19] : memref<10240x128xf32, #tpu.memory_space<vmem_shared>> -> memref<640x128xf32, #tpu.memory_space<vmem_shared>>
      tpu.enqueue_dma source(%dma_start3A_20 : memref<640x128xf32, #tpu.memory_space<vmem_shared>>) target(%dma_start3A_18 : memref<640x128xf32, #tpu.memory_space<hbm>>) target_semaphore(%run_scoped3A : memref<!tpu.dma_semaphore, #tpu.memory_space<semaphore_mem>>)
      %dma_wait3A = arith.constant 0 : i32
      %dma_wait3A_21 = tpu.memref_slice %arg6[%add3A_17, %dma_wait3A] : memref<20480x128xf32, #tpu.memory_space<hbm>> -> memref<640x128xf32, #tpu.memory_space<hbm>>
      %dma_wait3A_22 = arith.constant 0 : i32
      %dma_wait3A_23 = tpu.memref_slice %arg11[%mul3A_2, %dma_wait3A_22] : memref<10240x128xf32, #tpu.memory_space<vmem_shared>> -> memref<640x128xf32, #tpu.memory_space<vmem_shared>>
      tpu.wait_dma2 semaphore(%run_scoped3A : memref<!tpu.dma_semaphore, #tpu.memory_space<semaphore_mem>>) src(%dma_wait3A_23 : memref<640x128xf32, #tpu.memory_space<vmem_shared>>) dst(%dma_wait3A_21 : memref<640x128xf32, #tpu.memory_space<hbm>>)
      tpu.yield
    }) : () -> ()
    return
  }
}

module attributes {stable_mosaic.version = 14 : i64} {
  func.func @body(%arg0: i32, %arg1: memref<2000x1xf32, #tpu.memory_space<vmem>>, %arg2: memref<2000x1xf32, #tpu.memory_space<vmem>>, %arg3: memref<2000x128xf32, #tpu.memory_space<vmem>>, %arg4: memref<2000x1xf32, #tpu.memory_space<vmem>>, %arg5: memref<2000x128xf32, #tpu.memory_space<vmem>>) attributes {dimension_semantics = [#tpu.dimension_semantics<arbitrary>], iteration_bounds = array<i64: 5>, scalar_prefetch = 0 : i64, scratch_operands = 0 : i64, tpu.core_type = #tpu.core_type<tc>, window_params = [{transform_indices = @transform_0, window_bounds = array<i64: 2000, 1>}, {transform_indices = @transform_1, window_bounds = array<i64: 2000, 1>}, {transform_indices = @transform_2, window_bounds = array<i64: 2000, 128>}, {transform_indices = @transform_3, window_bounds = array<i64: 2000, 1>}, {transform_indices = @transform_4, window_bounds = array<i64: 2000, 128>}]} {
    %get3A = arith.constant 0 : index
    %get3A_0 = arith.constant 0 : index
    %get3A_1 = vector.load %arg1[%get3A, %get3A_0] : memref<2000x1xf32, #tpu.memory_space<vmem>>, vector<2000x1xf32>
    %get3A_2 = arith.constant 0 : index
    %get3A_3 = arith.constant 0 : index
    %get3A_4 = vector.load %arg2[%get3A_2, %get3A_3] : memref<2000x1xf32, #tpu.memory_space<vmem>>, vector<2000x1xf32>
    %add3A = arith.addf %get3A_1, %get3A_4 : vector<2000x1xf32>
    %add3A_5 = arith.constant 1.000000e+00 : f32
    %add3A_6 = vector.broadcast %add3A_5 : f32 to vector<2000x1xf32>
    %add3A_7 = arith.addf %add3A, %add3A_6 : vector<2000x1xf32>
    %rsqrt3A = math.rsqrt %add3A_7 : vector<2000x1xf32>
    %swap3A = arith.constant 0 : index
    %swap3A_8 = arith.constant 0 : index
    %swap3A_9 = vector.load %arg4[%swap3A, %swap3A_8] : memref<2000x1xf32, #tpu.memory_space<vmem>>, vector<2000x1xf32>
    tpu.vector_store %arg4[%swap3A, %swap3A_8], %rsqrt3A {strides = array<i32>} : memref<2000x1xf32, #tpu.memory_space<vmem>>, vector<2000x1xf32>,
    %get3A_10 = arith.constant 0 : index
    %get3A_11 = arith.constant 0 : index
    %get3A_12 = vector.load %arg3[%get3A_10, %get3A_11] : memref<2000x128xf32, #tpu.memory_space<vmem>>, vector<2000x128xf32>
    %mul3A = vector.broadcast %rsqrt3A : vector<2000x1xf32> to vector<2000x128xf32>
    %mul3A_13 = arith.mulf %get3A_12, %mul3A : vector<2000x128xf32>
    %swap3A_14 = arith.constant 0 : index
    %swap3A_15 = arith.constant 0 : index
    %swap3A_16 = vector.load %arg5[%swap3A_14, %swap3A_15] : memref<2000x128xf32, #tpu.memory_space<vmem>>, vector<2000x128xf32>
    tpu.vector_store %arg5[%swap3A_14, %swap3A_15], %mul3A_13 {strides = array<i32>} : memref<2000x128xf32, #tpu.memory_space<vmem>>, vector<2000x128xf32>,
    return
  }
  func.func @transform_0(%arg0: i32) -> (i32, i32) {
    %c0_i32 = arith.constant 0 : i32
    %c0_i32_0 = arith.constant 0 : i32
    return %arg0, %c0_i32 : i32, i32
  }
  func.func @transform_1(%arg0: i32) -> (i32, i32) {
    %c0_i32 = arith.constant 0 : i32
    %c0_i32_0 = arith.constant 0 : i32
    return %arg0, %c0_i32 : i32, i32
  }
  func.func @transform_2(%arg0: i32) -> (i32, i32) {
    %c0_i32 = arith.constant 0 : i32
    %c0_i32_0 = arith.constant 0 : i32
    return %arg0, %c0_i32 : i32, i32
  }
  func.func @transform_3(%arg0: i32) -> (i32, i32) {
    %c0_i32 = arith.constant 0 : i32
    %c0_i32_0 = arith.constant 0 : i32
    return %arg0, %c0_i32 : i32, i32
  }
  func.func @transform_4(%arg0: i32) -> (i32, i32) {
    %c0_i32 = arith.constant 0 : i32
    %c0_i32_0 = arith.constant 0 : i32
    return %arg0, %c0_i32 : i32, i32
  }
}

module attributes {stable_mosaic.version = 14 : i64} {
  func.func @body(%arg0: i32, %arg1: memref<2000x128xf32, #tpu.memory_space<vmem>>, %arg2: memref<2000x128xf32, #tpu.memory_space<vmem>>, %arg3: memref<2000x128xf32, #tpu.memory_space<vmem>>, %arg4: memref<2000x1xf32, #tpu.memory_space<vmem>>, %arg5: memref<128x256xf32, #tpu.memory_space<vmem>>, %arg6: memref<1x256xf32, #tpu.memory_space<vmem>>, %arg7: memref<2000x256xf32, #tpu.memory_space<vmem>>, %arg8: memref<1x256xf32, #tpu.memory_space<vmem>>, %arg9: memref<1x256xf32, #tpu.memory_space<vmem>>) attributes {dimension_semantics = [#tpu.dimension_semantics<arbitrary>], iteration_bounds = array<i64: 5>, scalar_prefetch = 0 : i64, scratch_operands = 0 : i64, tpu.core_type = #tpu.core_type<tc>, window_params = [{transform_indices = @transform_0, window_bounds = array<i64: 2000, 128>}, {transform_indices = @transform_1, window_bounds = array<i64: 2000, 128>}, {transform_indices = @transform_2, window_bounds = array<i64: 2000, 128>}, {transform_indices = @transform_3, window_bounds = array<i64: 2000, 1>}, {pipeline_mode = #tpu.pipeline_mode<synchronous>, transform_indices = @transform_4, window_bounds = array<i64: 128, 256>}, {pipeline_mode = #tpu.pipeline_mode<synchronous>, transform_indices = @transform_5, window_bounds = array<i64: 1, 256>}, {transform_indices = @transform_6, window_bounds = array<i64: 2000, 256>}, {pipeline_mode = #tpu.pipeline_mode<synchronous>, transform_indices = @transform_7, window_bounds = array<i64: 1, 256>}, {pipeline_mode = #tpu.pipeline_mode<synchronous>, transform_indices = @transform_8, window_bounds = array<i64: 1, 256>}]} {
    %get3A = arith.constant 0 : index
    %get3A_0 = arith.constant 0 : index
    %get3A_1 = vector.load %arg1[%get3A, %get3A_0] : memref<2000x128xf32, #tpu.memory_space<vmem>>, vector<2000x128xf32>
    %get3A_2 = arith.constant 0 : index
    %get3A_3 = arith.constant 0 : index
    %get3A_4 = vector.load %arg2[%get3A_2, %get3A_3] : memref<2000x128xf32, #tpu.memory_space<vmem>>, vector<2000x128xf32>
    %add3A = arith.addf %get3A_1, %get3A_4 : vector<2000x128xf32>
    %get3A_5 = arith.constant 0 : index
    %get3A_6 = arith.constant 0 : index
    %get3A_7 = vector.load %arg3[%get3A_5, %get3A_6] : memref<2000x128xf32, #tpu.memory_space<vmem>>, vector<2000x128xf32>
    %add3A_8 = arith.addf %add3A, %get3A_7 : vector<2000x128xf32>
    %get3A_9 = arith.constant 0 : index
    %get3A_10 = arith.constant 0 : index
    %get3A_11 = vector.load %arg4[%get3A_9, %get3A_10] : memref<2000x1xf32, #tpu.memory_space<vmem>>, vector<2000x1xf32>
    %mul3A = vector.broadcast %get3A_11 : vector<2000x1xf32> to vector<2000x128xf32>
    %mul3A_12 = arith.mulf %add3A_8, %mul3A : vector<2000x128xf32>
    %get3A_13 = arith.constant 0 : index
    %get3A_14 = arith.constant 0 : index
    %get3A_15 = vector.load %arg5[%get3A_13, %get3A_14] : memref<128x256xf32, #tpu.memory_space<vmem>>, vector<128x256xf32>
    %dot_general3A = arith.constant dense<0.000000e+00> : vector<2000x256xf32>
    %dot_general3A_16 = tpu.matmul %mul3A_12, %get3A_15, %dot_general3A {dimension_numbers = #tpu.dot_dimension_numbers<[1], [0], [0], [1], [0, 0, 1, 1], [], []>, transpose_lhs_hint = false} : vector<2000x128xf32>, vector<128x256xf32>, vector<2000x256xf32> -> vector<2000x256xf32>
    %get3A_17 = arith.constant 0 : index
    %get3A_18 = arith.constant 0 : index
    %get3A_19 = vector.load %arg6[%get3A_17, %get3A_18] : memref<1x256xf32, #tpu.memory_space<vmem>>, vector<1x256xf32>
    %add3A_20 = vector.broadcast %get3A_19 : vector<1x256xf32> to vector<2000x256xf32>
    %add3A_21 = arith.addf %dot_general3A_16, %add3A_20 : vector<2000x256xf32>
    %swap3A = arith.constant 0 : index
    %swap3A_22 = arith.constant 0 : index
    %swap3A_23 = vector.load %arg7[%swap3A, %swap3A_22] : memref<2000x256xf32, #tpu.memory_space<vmem>>, vector<2000x256xf32>
    tpu.vector_store %arg7[%swap3A, %swap3A_22], %add3A_21 {strides = array<i32>} : memref<2000x256xf32, #tpu.memory_space<vmem>>, vector<2000x256xf32>,
    %eq3A = arith.constant 0 : i32
    %eq3A_24 = arith.cmpi eq, %arg0, %eq3A : i32
    %convert_element_type3A = arith.extui %eq3A_24 : i1 to i32
    %cond3A = arith.constant 0 : i32
    %cond3A_25 = arith.cmpi ne, %convert_element_type3A, %cond3A : i32
    scf.if %cond3A_25 {
      %broadcast_in_dim3A_45 = arith.constant 0.000000e+00 : f32
      %broadcast_in_dim3A_46 = vector.broadcast %broadcast_in_dim3A_45 : f32 to vector<1x256xf32>
      %swap3A_47 = arith.constant 0 : index
      %swap3A_48 = arith.constant 0 : index
      %swap3A_49 = vector.load %arg8[%swap3A_47, %swap3A_48] : memref<1x256xf32, #tpu.memory_space<vmem>>, vector<1x256xf32>
      tpu.vector_store %arg8[%swap3A_47, %swap3A_48], %broadcast_in_dim3A_46 {strides = array<i32>} : memref<1x256xf32, #tpu.memory_space<vmem>>, vector<1x256xf32>,
      %broadcast_in_dim3A_50 = arith.constant 0.000000e+00 : f32
      %broadcast_in_dim3A_51 = vector.broadcast %broadcast_in_dim3A_50 : f32 to vector<1x256xf32>
      %swap3A_52 = arith.constant 0 : index
      %swap3A_53 = arith.constant 0 : index
      %swap3A_54 = vector.load %arg9[%swap3A_52, %swap3A_53] : memref<1x256xf32, #tpu.memory_space<vmem>>, vector<1x256xf32>
      tpu.vector_store %arg9[%swap3A_52, %swap3A_53], %broadcast_in_dim3A_51 {strides = array<i32>} : memref<1x256xf32, #tpu.memory_space<vmem>>, vector<1x256xf32>,
    } else {
    }
    %get3A_26 = arith.constant 0 : index
    %get3A_27 = arith.constant 0 : index
    %get3A_28 = vector.load %arg8[%get3A_26, %get3A_27] : memref<1x256xf32, #tpu.memory_space<vmem>>, vector<1x256xf32>
    %reduce_sum3A = arith.constant dense<0.000000e+00> : vector<256xf32>
    %reduce_sum3A_29 = vector.multi_reduction <add>, %add3A_21, %reduce_sum3A [0] : vector<2000x256xf32> to vector<256xf32>
    %broadcast_in_dim3A = vector.shape_cast %reduce_sum3A_29 : vector<256xf32> to vector<1x256xf32>
    %add3A_30 = arith.addf %get3A_28, %broadcast_in_dim3A : vector<1x256xf32>
    %swap3A_31 = arith.constant 0 : index
    %swap3A_32 = arith.constant 0 : index
    %swap3A_33 = vector.load %arg8[%swap3A_31, %swap3A_32] : memref<1x256xf32, #tpu.memory_space<vmem>>, vector<1x256xf32>
    tpu.vector_store %arg8[%swap3A_31, %swap3A_32], %add3A_30 {strides = array<i32>} : memref<1x256xf32, #tpu.memory_space<vmem>>, vector<1x256xf32>,
    %get3A_34 = arith.constant 0 : index
    %get3A_35 = arith.constant 0 : index
    %get3A_36 = vector.load %arg9[%get3A_34, %get3A_35] : memref<1x256xf32, #tpu.memory_space<vmem>>, vector<1x256xf32>
    %mul3A_37 = arith.mulf %add3A_21, %add3A_21 : vector<2000x256xf32>
    %reduce_sum3A_38 = arith.constant dense<0.000000e+00> : vector<256xf32>
    %reduce_sum3A_39 = vector.multi_reduction <add>, %mul3A_37, %reduce_sum3A_38 [0] : vector<2000x256xf32> to vector<256xf32>
    %broadcast_in_dim3A_40 = vector.shape_cast %reduce_sum3A_39 : vector<256xf32> to vector<1x256xf32>
    %add3A_41 = arith.addf %get3A_36, %broadcast_in_dim3A_40 : vector<1x256xf32>
    %swap3A_42 = arith.constant 0 : index
    %swap3A_43 = arith.constant 0 : index
    %swap3A_44 = vector.load %arg9[%swap3A_42, %swap3A_43] : memref<1x256xf32, #tpu.memory_space<vmem>>, vector<1x256xf32>
    tpu.vector_store %arg9[%swap3A_42, %swap3A_43], %add3A_41 {strides = array<i32>} : memref<1x256xf32, #tpu.memory_space<vmem>>, vector<1x256xf32>,
    return
  }
  func.func @transform_0(%arg0: i32) -> (i32, i32) {
    %c0_i32 = arith.constant 0 : i32
    %c0_i32_0 = arith.constant 0 : i32
    return %arg0, %c0_i32 : i32, i32
  }
  func.func @transform_1(%arg0: i32) -> (i32, i32) {
    %c0_i32 = arith.constant 0 : i32
    %c0_i32_0 = arith.constant 0 : i32
    return %arg0, %c0_i32 : i32, i32
  }
  func.func @transform_2(%arg0: i32) -> (i32, i32) {
    %c0_i32 = arith.constant 0 : i32
    %c0_i32_0 = arith.constant 0 : i32
    return %arg0, %c0_i32 : i32, i32
  }
  func.func @transform_3(%arg0: i32) -> (i32, i32) {
    %c0_i32 = arith.constant 0 : i32
    %c0_i32_0 = arith.constant 0 : i32
    return %arg0, %c0_i32 : i32, i32
  }
  func.func @transform_4(%arg0: i32) -> (i32, i32) {
    %c0_i32 = arith.constant 0 : i32
    %c0_i32_0 = arith.constant 0 : i32
    %c0_i32_1 = arith.constant 0 : i32
    return %c0_i32, %c0_i32_0 : i32, i32
  }
  func.func @transform_5(%arg0: i32) -> (i32, i32) {
    %c0_i32 = arith.constant 0 : i32
    %c0_i32_0 = arith.constant 0 : i32
    %c0_i32_1 = arith.constant 0 : i32
    return %c0_i32, %c0_i32_0 : i32, i32
  }
  func.func @transform_6(%arg0: i32) -> (i32, i32) {
    %c0_i32 = arith.constant 0 : i32
    %c0_i32_0 = arith.constant 0 : i32
    return %arg0, %c0_i32 : i32, i32
  }
  func.func @transform_7(%arg0: i32) -> (i32, i32) {
    %c0_i32 = arith.constant 0 : i32
    %c0_i32_0 = arith.constant 0 : i32
    %c0_i32_1 = arith.constant 0 : i32
    return %c0_i32, %c0_i32_0 : i32, i32
  }
  func.func @transform_8(%arg0: i32) -> (i32, i32) {
    %c0_i32 = arith.constant 0 : i32
    %c0_i32_0 = arith.constant 0 : i32
    %c0_i32_1 = arith.constant 0 : i32
    return %c0_i32, %c0_i32_0 : i32, i32
  }
}

module attributes {stable_mosaic.version = 14 : i64} {
  func.func @body(%arg0: i32, %arg1: memref<2000x256xf32, #tpu.memory_space<vmem>>, %arg2: memref<1x256xf32, #tpu.memory_space<vmem>>, %arg3: memref<1x256xf32, #tpu.memory_space<vmem>>, %arg4: memref<1x256xf32, #tpu.memory_space<vmem>>, %arg5: memref<1x256xf32, #tpu.memory_space<vmem>>, %arg6: memref<256x128xf32, #tpu.memory_space<vmem>>, %arg7: memref<2000x1xf32, #tpu.memory_space<vmem>>, %arg8: memref<2000x128xf32, #tpu.memory_space<vmem>>) attributes {dimension_semantics = [#tpu.dimension_semantics<arbitrary>], iteration_bounds = array<i64: 5>, scalar_prefetch = 0 : i64, scratch_operands = 0 : i64, tpu.core_type = #tpu.core_type<tc>, window_params = [{transform_indices = @transform_0, window_bounds = array<i64: 2000, 256>}, {pipeline_mode = #tpu.pipeline_mode<synchronous>, transform_indices = @transform_1, window_bounds = array<i64: 1, 256>}, {pipeline_mode = #tpu.pipeline_mode<synchronous>, transform_indices = @transform_2, window_bounds = array<i64: 1, 256>}, {pipeline_mode = #tpu.pipeline_mode<synchronous>, transform_indices = @transform_3, window_bounds = array<i64: 1, 256>}, {pipeline_mode = #tpu.pipeline_mode<synchronous>, transform_indices = @transform_4, window_bounds = array<i64: 1, 256>}, {pipeline_mode = #tpu.pipeline_mode<synchronous>, transform_indices = @transform_5, window_bounds = array<i64: 256, 128>}, {transform_indices = @transform_6, window_bounds = array<i64: 2000, 1>}, {transform_indices = @transform_7, window_bounds = array<i64: 2000, 128>}]} {
    %get3A = arith.constant 0 : index
    %get3A_0 = arith.constant 0 : index
    %get3A_1 = vector.load %arg2[%get3A, %get3A_0] : memref<1x256xf32, #tpu.memory_space<vmem>>, vector<1x256xf32>
    %mul3A = arith.constant 9.99999974E-5 : f32
    %mul3A_2 = vector.broadcast %mul3A : f32 to vector<1x256xf32>
    %mul3A_3 = arith.mulf %get3A_1, %mul3A_2 : vector<1x256xf32>
    %get3A_4 = arith.constant 0 : index
    %get3A_5 = arith.constant 0 : index
    %get3A_6 = vector.load %arg3[%get3A_4, %get3A_5] : memref<1x256xf32, #tpu.memory_space<vmem>>, vector<1x256xf32>
    %mul3A_7 = arith.constant 9.99999974E-5 : f32
    %mul3A_8 = vector.broadcast %mul3A_7 : f32 to vector<1x256xf32>
    %mul3A_9 = arith.mulf %get3A_6, %mul3A_8 : vector<1x256xf32>
    %mul3A_10 = arith.mulf %mul3A_3, %mul3A_3 : vector<1x256xf32>
    %sub3A = arith.subf %mul3A_9, %mul3A_10 : vector<1x256xf32>
    %add3A = arith.constant 9.99999974E-6 : f32
    %add3A_11 = vector.broadcast %add3A : f32 to vector<1x256xf32>
    %add3A_12 = arith.addf %sub3A, %add3A_11 : vector<1x256xf32>
    %rsqrt3A = math.rsqrt %add3A_12 : vector<1x256xf32>
    %get3A_13 = arith.constant 0 : index
    %get3A_14 = arith.constant 0 : index
    %get3A_15 = vector.load %arg1[%get3A_13, %get3A_14] : memref<2000x256xf32, #tpu.memory_space<vmem>>, vector<2000x256xf32>
    %sub3A_16 = vector.broadcast %mul3A_3 : vector<1x256xf32> to vector<2000x256xf32>
    %sub3A_17 = arith.subf %get3A_15, %sub3A_16 : vector<2000x256xf32>
    %mul3A_18 = vector.broadcast %rsqrt3A : vector<1x256xf32> to vector<2000x256xf32>
    %mul3A_19 = arith.mulf %sub3A_17, %mul3A_18 : vector<2000x256xf32>
    %get3A_20 = arith.constant 0 : index
    %get3A_21 = arith.constant 0 : index
    %get3A_22 = vector.load %arg4[%get3A_20, %get3A_21] : memref<1x256xf32, #tpu.memory_space<vmem>>, vector<1x256xf32>
    %mul3A_23 = vector.broadcast %get3A_22 : vector<1x256xf32> to vector<2000x256xf32>
    %mul3A_24 = arith.mulf %mul3A_19, %mul3A_23 : vector<2000x256xf32>
    %get3A_25 = arith.constant 0 : index
    %get3A_26 = arith.constant 0 : index
    %get3A_27 = vector.load %arg5[%get3A_25, %get3A_26] : memref<1x256xf32, #tpu.memory_space<vmem>>, vector<1x256xf32>
    %add3A_28 = vector.broadcast %get3A_27 : vector<1x256xf32> to vector<2000x256xf32>
    %add3A_29 = arith.addf %mul3A_24, %add3A_28 : vector<2000x256xf32>
    %max3A = arith.constant 0.000000e+00 : f32
    %max3A_30 = vector.broadcast %max3A : f32 to vector<2000x256xf32>
    %max3A_31 = arith.maximumf %add3A_29, %max3A_30 : vector<2000x256xf32>
    %get3A_32 = arith.constant 0 : index
    %get3A_33 = arith.constant 0 : index
    %get3A_34 = vector.load %arg6[%get3A_32, %get3A_33] : memref<256x128xf32, #tpu.memory_space<vmem>>, vector<256x128xf32>
    %dot_general3A = arith.constant dense<0.000000e+00> : vector<2000x128xf32>
    %dot_general3A_35 = tpu.matmul %max3A_31, %get3A_34, %dot_general3A {dimension_numbers = #tpu.dot_dimension_numbers<[1], [0], [0], [1], [0, 0, 1, 1], [], []>, transpose_lhs_hint = false} : vector<2000x256xf32>, vector<256x128xf32>, vector<2000x128xf32> -> vector<2000x128xf32>
    %get3A_36 = arith.constant 0 : index
    %get3A_37 = arith.constant 0 : index
    %get3A_38 = vector.load %arg7[%get3A_36, %get3A_37] : memref<2000x1xf32, #tpu.memory_space<vmem>>, vector<2000x1xf32>
    %mul3A_39 = vector.broadcast %get3A_38 : vector<2000x1xf32> to vector<2000x128xf32>
    %mul3A_40 = arith.mulf %dot_general3A_35, %mul3A_39 : vector<2000x128xf32>
    %swap3A = arith.constant 0 : index
    %swap3A_41 = arith.constant 0 : index
    %swap3A_42 = vector.load %arg8[%swap3A, %swap3A_41] : memref<2000x128xf32, #tpu.memory_space<vmem>>, vector<2000x128xf32>
    tpu.vector_store %arg8[%swap3A, %swap3A_41], %mul3A_40 {strides = array<i32>} : memref<2000x128xf32, #tpu.memory_space<vmem>>, vector<2000x128xf32>,
    return
  }
  func.func @transform_0(%arg0: i32) -> (i32, i32) {
    %c0_i32 = arith.constant 0 : i32
    %c0_i32_0 = arith.constant 0 : i32
    return %arg0, %c0_i32 : i32, i32
  }
  func.func @transform_1(%arg0: i32) -> (i32, i32) {
    %c0_i32 = arith.constant 0 : i32
    %c0_i32_0 = arith.constant 0 : i32
    %c0_i32_1 = arith.constant 0 : i32
    return %c0_i32, %c0_i32_0 : i32, i32
  }
  func.func @transform_2(%arg0: i32) -> (i32, i32) {
    %c0_i32 = arith.constant 0 : i32
    %c0_i32_0 = arith.constant 0 : i32
    %c0_i32_1 = arith.constant 0 : i32
    return %c0_i32, %c0_i32_0 : i32, i32
  }
  func.func @transform_3(%arg0: i32) -> (i32, i32) {
    %c0_i32 = arith.constant 0 : i32
    %c0_i32_0 = arith.constant 0 : i32
    %c0_i32_1 = arith.constant 0 : i32
    return %c0_i32, %c0_i32_0 : i32, i32
  }
  func.func @transform_4(%arg0: i32) -> (i32, i32) {
    %c0_i32 = arith.constant 0 : i32
    %c0_i32_0 = arith.constant 0 : i32
    %c0_i32_1 = arith.constant 0 : i32
    return %c0_i32, %c0_i32_0 : i32, i32
  }
  func.func @transform_5(%arg0: i32) -> (i32, i32) {
    %c0_i32 = arith.constant 0 : i32
    %c0_i32_0 = arith.constant 0 : i32
    %c0_i32_1 = arith.constant 0 : i32
    return %c0_i32, %c0_i32_0 : i32, i32
  }
  func.func @transform_6(%arg0: i32) -> (i32, i32) {
    %c0_i32 = arith.constant 0 : i32
    %c0_i32_0 = arith.constant 0 : i32
    return %arg0, %c0_i32 : i32, i32
  }
  func.func @transform_7(%arg0: i32) -> (i32, i32) {
    %c0_i32 = arith.constant 0 : i32
    %c0_i32_0 = arith.constant 0 : i32
    return %arg0, %c0_i32 : i32, i32
  }
}

module attributes {stable_mosaic.version = 14 : i64} {
  func.func @body(%arg0: i32, %arg1: memref<2000x128xf32, #tpu.memory_space<vmem>>, %arg2: memref<2000x128xf32, #tpu.memory_space<vmem>>, %arg3: memref<2000x128xf32, #tpu.memory_space<vmem>>, %arg4: memref<2000x1xf32, #tpu.memory_space<vmem>>, %arg5: memref<1x128xf32, #tpu.memory_space<vmem>>, %arg6: memref<2000x128xf32, #tpu.memory_space<vmem>>, %arg7: memref<1x128xf32, #tpu.memory_space<vmem>>, %arg8: memref<1x128xf32, #tpu.memory_space<vmem>>) attributes {dimension_semantics = [#tpu.dimension_semantics<arbitrary>], iteration_bounds = array<i64: 5>, scalar_prefetch = 0 : i64, scratch_operands = 0 : i64, tpu.core_type = #tpu.core_type<tc>, window_params = [{transform_indices = @transform_0, window_bounds = array<i64: 2000, 128>}, {transform_indices = @transform_1, window_bounds = array<i64: 2000, 128>}, {transform_indices = @transform_2, window_bounds = array<i64: 2000, 128>}, {transform_indices = @transform_3, window_bounds = array<i64: 2000, 1>}, {pipeline_mode = #tpu.pipeline_mode<synchronous>, transform_indices = @transform_4, window_bounds = array<i64: 1, 128>}, {transform_indices = @transform_5, window_bounds = array<i64: 2000, 128>}, {pipeline_mode = #tpu.pipeline_mode<synchronous>, transform_indices = @transform_6, window_bounds = array<i64: 1, 128>}, {pipeline_mode = #tpu.pipeline_mode<synchronous>, transform_indices = @transform_7, window_bounds = array<i64: 1, 128>}]} {
    %get3A = arith.constant 0 : index
    %get3A_0 = arith.constant 0 : index
    %get3A_1 = vector.load %arg1[%get3A, %get3A_0] : memref<2000x128xf32, #tpu.memory_space<vmem>>, vector<2000x128xf32>
    %get3A_2 = arith.constant 0 : index
    %get3A_3 = arith.constant 0 : index
    %get3A_4 = vector.load %arg2[%get3A_2, %get3A_3] : memref<2000x128xf32, #tpu.memory_space<vmem>>, vector<2000x128xf32>
    %add3A = arith.addf %get3A_1, %get3A_4 : vector<2000x128xf32>
    %get3A_5 = arith.constant 0 : index
    %get3A_6 = arith.constant 0 : index
    %get3A_7 = vector.load %arg3[%get3A_5, %get3A_6] : memref<2000x128xf32, #tpu.memory_space<vmem>>, vector<2000x128xf32>
    %add3A_8 = arith.addf %add3A, %get3A_7 : vector<2000x128xf32>
    %get3A_9 = arith.constant 0 : index
    %get3A_10 = arith.constant 0 : index
    %get3A_11 = vector.load %arg4[%get3A_9, %get3A_10] : memref<2000x1xf32, #tpu.memory_space<vmem>>, vector<2000x1xf32>
    %mul3A = vector.broadcast %get3A_11 : vector<2000x1xf32> to vector<2000x128xf32>
    %mul3A_12 = arith.mulf %add3A_8, %mul3A : vector<2000x128xf32>
    %get3A_13 = arith.constant 0 : index
    %get3A_14 = arith.constant 0 : index
    %get3A_15 = vector.load %arg5[%get3A_13, %get3A_14] : memref<1x128xf32, #tpu.memory_space<vmem>>, vector<1x128xf32>
    %add3A_16 = vector.broadcast %get3A_15 : vector<1x128xf32> to vector<2000x128xf32>
    %add3A_17 = arith.addf %mul3A_12, %add3A_16 : vector<2000x128xf32>
    %swap3A = arith.constant 0 : index
    %swap3A_18 = arith.constant 0 : index
    %swap3A_19 = vector.load %arg6[%swap3A, %swap3A_18] : memref<2000x128xf32, #tpu.memory_space<vmem>>, vector<2000x128xf32>
    tpu.vector_store %arg6[%swap3A, %swap3A_18], %add3A_17 {strides = array<i32>} : memref<2000x128xf32, #tpu.memory_space<vmem>>, vector<2000x128xf32>,
    %eq3A = arith.constant 0 : i32
    %eq3A_20 = arith.cmpi eq, %arg0, %eq3A : i32
    %convert_element_type3A = arith.extui %eq3A_20 : i1 to i32
    %cond3A = arith.constant 0 : i32
    %cond3A_21 = arith.cmpi ne, %convert_element_type3A, %cond3A : i32
    scf.if %cond3A_21 {
      %broadcast_in_dim3A_41 = arith.constant 0.000000e+00 : f32
      %broadcast_in_dim3A_42 = vector.broadcast %broadcast_in_dim3A_41 : f32 to vector<1x128xf32>
      %swap3A_43 = arith.constant 0 : index
      %swap3A_44 = arith.constant 0 : index
      %swap3A_45 = vector.load %arg7[%swap3A_43, %swap3A_44] : memref<1x128xf32, #tpu.memory_space<vmem>>, vector<1x128xf32>
      tpu.vector_store %arg7[%swap3A_43, %swap3A_44], %broadcast_in_dim3A_42 {strides = array<i32>} : memref<1x128xf32, #tpu.memory_space<vmem>>, vector<1x128xf32>,
      %broadcast_in_dim3A_46 = arith.constant 0.000000e+00 : f32
      %broadcast_in_dim3A_47 = vector.broadcast %broadcast_in_dim3A_46 : f32 to vector<1x128xf32>
      %swap3A_48 = arith.constant 0 : index
      %swap3A_49 = arith.constant 0 : index
      %swap3A_50 = vector.load %arg8[%swap3A_48, %swap3A_49] : memref<1x128xf32, #tpu.memory_space<vmem>>, vector<1x128xf32>
      tpu.vector_store %arg8[%swap3A_48, %swap3A_49], %broadcast_in_dim3A_47 {strides = array<i32>} : memref<1x128xf32, #tpu.memory_space<vmem>>, vector<1x128xf32>,
    } else {
    }
    %get3A_22 = arith.constant 0 : index
    %get3A_23 = arith.constant 0 : index
    %get3A_24 = vector.load %arg7[%get3A_22, %get3A_23] : memref<1x128xf32, #tpu.memory_space<vmem>>, vector<1x128xf32>
    %reduce_sum3A = arith.constant dense<0.000000e+00> : vector<128xf32>
    %reduce_sum3A_25 = vector.multi_reduction <add>, %add3A_17, %reduce_sum3A [0] : vector<2000x128xf32> to vector<128xf32>
    %broadcast_in_dim3A = vector.shape_cast %reduce_sum3A_25 : vector<128xf32> to vector<1x128xf32>
    %add3A_26 = arith.addf %get3A_24, %broadcast_in_dim3A : vector<1x128xf32>
    %swap3A_27 = arith.constant 0 : index
    %swap3A_28 = arith.constant 0 : index
    %swap3A_29 = vector.load %arg7[%swap3A_27, %swap3A_28] : memref<1x128xf32, #tpu.memory_space<vmem>>, vector<1x128xf32>
    tpu.vector_store %arg7[%swap3A_27, %swap3A_28], %add3A_26 {strides = array<i32>} : memref<1x128xf32, #tpu.memory_space<vmem>>, vector<1x128xf32>,
    %get3A_30 = arith.constant 0 : index
    %get3A_31 = arith.constant 0 : index
    %get3A_32 = vector.load %arg8[%get3A_30, %get3A_31] : memref<1x128xf32, #tpu.memory_space<vmem>>, vector<1x128xf32>
    %mul3A_33 = arith.mulf %add3A_17, %add3A_17 : vector<2000x128xf32>
    %reduce_sum3A_34 = arith.constant dense<0.000000e+00> : vector<128xf32>
    %reduce_sum3A_35 = vector.multi_reduction <add>, %mul3A_33, %reduce_sum3A_34 [0] : vector<2000x128xf32> to vector<128xf32>
    %broadcast_in_dim3A_36 = vector.shape_cast %reduce_sum3A_35 : vector<128xf32> to vector<1x128xf32>
    %add3A_37 = arith.addf %get3A_32, %broadcast_in_dim3A_36 : vector<1x128xf32>
    %swap3A_38 = arith.constant 0 : index
    %swap3A_39 = arith.constant 0 : index
    %swap3A_40 = vector.load %arg8[%swap3A_38, %swap3A_39] : memref<1x128xf32, #tpu.memory_space<vmem>>, vector<1x128xf32>
    tpu.vector_store %arg8[%swap3A_38, %swap3A_39], %add3A_37 {strides = array<i32>} : memref<1x128xf32, #tpu.memory_space<vmem>>, vector<1x128xf32>,
    return
  }
  func.func @transform_0(%arg0: i32) -> (i32, i32) {
    %c0_i32 = arith.constant 0 : i32
    %c0_i32_0 = arith.constant 0 : i32
    return %arg0, %c0_i32 : i32, i32
  }
  func.func @transform_1(%arg0: i32) -> (i32, i32) {
    %c0_i32 = arith.constant 0 : i32
    %c0_i32_0 = arith.constant 0 : i32
    return %arg0, %c0_i32 : i32, i32
  }
  func.func @transform_2(%arg0: i32) -> (i32, i32) {
    %c0_i32 = arith.constant 0 : i32
    %c0_i32_0 = arith.constant 0 : i32
    return %arg0, %c0_i32 : i32, i32
  }
  func.func @transform_3(%arg0: i32) -> (i32, i32) {
    %c0_i32 = arith.constant 0 : i32
    %c0_i32_0 = arith.constant 0 : i32
    return %arg0, %c0_i32 : i32, i32
  }
  func.func @transform_4(%arg0: i32) -> (i32, i32) {
    %c0_i32 = arith.constant 0 : i32
    %c0_i32_0 = arith.constant 0 : i32
    %c0_i32_1 = arith.constant 0 : i32
    return %c0_i32, %c0_i32_0 : i32, i32
  }
  func.func @transform_5(%arg0: i32) -> (i32, i32) {
    %c0_i32 = arith.constant 0 : i32
    %c0_i32_0 = arith.constant 0 : i32
    return %arg0, %c0_i32 : i32, i32
  }
  func.func @transform_6(%arg0: i32) -> (i32, i32) {
    %c0_i32 = arith.constant 0 : i32
    %c0_i32_0 = arith.constant 0 : i32
    %c0_i32_1 = arith.constant 0 : i32
    return %c0_i32, %c0_i32_0 : i32, i32
  }
  func.func @transform_7(%arg0: i32) -> (i32, i32) {
    %c0_i32 = arith.constant 0 : i32
    %c0_i32_0 = arith.constant 0 : i32
    %c0_i32_1 = arith.constant 0 : i32
    return %c0_i32, %c0_i32_0 : i32, i32
  }
}

module attributes {stable_mosaic.version = 14 : i64} {
  func.func @body(%arg0: i32, %arg1: memref<2000x128xf32, #tpu.memory_space<vmem>>, %arg2: memref<1x128xf32, #tpu.memory_space<vmem>>, %arg3: memref<1x128xf32, #tpu.memory_space<vmem>>, %arg4: memref<1x128xf32, #tpu.memory_space<vmem>>, %arg5: memref<1x128xf32, #tpu.memory_space<vmem>>, %arg6: memref<2000x128xf32, #tpu.memory_space<vmem>>) attributes {dimension_semantics = [#tpu.dimension_semantics<arbitrary>], iteration_bounds = array<i64: 5>, scalar_prefetch = 0 : i64, scratch_operands = 0 : i64, tpu.core_type = #tpu.core_type<tc>, window_params = [{transform_indices = @transform_0, window_bounds = array<i64: 2000, 128>}, {pipeline_mode = #tpu.pipeline_mode<synchronous>, transform_indices = @transform_1, window_bounds = array<i64: 1, 128>}, {pipeline_mode = #tpu.pipeline_mode<synchronous>, transform_indices = @transform_2, window_bounds = array<i64: 1, 128>}, {pipeline_mode = #tpu.pipeline_mode<synchronous>, transform_indices = @transform_3, window_bounds = array<i64: 1, 128>}, {pipeline_mode = #tpu.pipeline_mode<synchronous>, transform_indices = @transform_4, window_bounds = array<i64: 1, 128>}, {transform_indices = @transform_5, window_bounds = array<i64: 2000, 128>}]} {
    %get3A = arith.constant 0 : index
    %get3A_0 = arith.constant 0 : index
    %get3A_1 = vector.load %arg2[%get3A, %get3A_0] : memref<1x128xf32, #tpu.memory_space<vmem>>, vector<1x128xf32>
    %mul3A = arith.constant 9.99999974E-5 : f32
    %mul3A_2 = vector.broadcast %mul3A : f32 to vector<1x128xf32>
    %mul3A_3 = arith.mulf %get3A_1, %mul3A_2 : vector<1x128xf32>
    %get3A_4 = arith.constant 0 : index
    %get3A_5 = arith.constant 0 : index
    %get3A_6 = vector.load %arg3[%get3A_4, %get3A_5] : memref<1x128xf32, #tpu.memory_space<vmem>>, vector<1x128xf32>
    %mul3A_7 = arith.constant 9.99999974E-5 : f32
    %mul3A_8 = vector.broadcast %mul3A_7 : f32 to vector<1x128xf32>
    %mul3A_9 = arith.mulf %get3A_6, %mul3A_8 : vector<1x128xf32>
    %mul3A_10 = arith.mulf %mul3A_3, %mul3A_3 : vector<1x128xf32>
    %sub3A = arith.subf %mul3A_9, %mul3A_10 : vector<1x128xf32>
    %add3A = arith.constant 9.99999974E-6 : f32
    %add3A_11 = vector.broadcast %add3A : f32 to vector<1x128xf32>
    %add3A_12 = arith.addf %sub3A, %add3A_11 : vector<1x128xf32>
    %rsqrt3A = math.rsqrt %add3A_12 : vector<1x128xf32>
    %get3A_13 = arith.constant 0 : index
    %get3A_14 = arith.constant 0 : index
    %get3A_15 = vector.load %arg1[%get3A_13, %get3A_14] : memref<2000x128xf32, #tpu.memory_space<vmem>>, vector<2000x128xf32>
    %sub3A_16 = vector.broadcast %mul3A_3 : vector<1x128xf32> to vector<2000x128xf32>
    %sub3A_17 = arith.subf %get3A_15, %sub3A_16 : vector<2000x128xf32>
    %mul3A_18 = vector.broadcast %rsqrt3A : vector<1x128xf32> to vector<2000x128xf32>
    %mul3A_19 = arith.mulf %sub3A_17, %mul3A_18 : vector<2000x128xf32>
    %get3A_20 = arith.constant 0 : index
    %get3A_21 = arith.constant 0 : index
    %get3A_22 = vector.load %arg4[%get3A_20, %get3A_21] : memref<1x128xf32, #tpu.memory_space<vmem>>, vector<1x128xf32>
    %mul3A_23 = vector.broadcast %get3A_22 : vector<1x128xf32> to vector<2000x128xf32>
    %mul3A_24 = arith.mulf %mul3A_19, %mul3A_23 : vector<2000x128xf32>
    %get3A_25 = arith.constant 0 : index
    %get3A_26 = arith.constant 0 : index
    %get3A_27 = vector.load %arg5[%get3A_25, %get3A_26] : memref<1x128xf32, #tpu.memory_space<vmem>>, vector<1x128xf32>
    %add3A_28 = vector.broadcast %get3A_27 : vector<1x128xf32> to vector<2000x128xf32>
    %add3A_29 = arith.addf %mul3A_24, %add3A_28 : vector<2000x128xf32>
    %swap3A = arith.constant 0 : index
    %swap3A_30 = arith.constant 0 : index
    %swap3A_31 = vector.load %arg6[%swap3A, %swap3A_30] : memref<2000x128xf32, #tpu.memory_space<vmem>>, vector<2000x128xf32>
    tpu.vector_store %arg6[%swap3A, %swap3A_30], %add3A_29 {strides = array<i32>} : memref<2000x128xf32, #tpu.memory_space<vmem>>, vector<2000x128xf32>,
    return
  }
  func.func @transform_0(%arg0: i32) -> (i32, i32) {
    %c0_i32 = arith.constant 0 : i32
    %c0_i32_0 = arith.constant 0 : i32
    return %arg0, %c0_i32 : i32, i32
  }
  func.func @transform_1(%arg0: i32) -> (i32, i32) {
    %c0_i32 = arith.constant 0 : i32
    %c0_i32_0 = arith.constant 0 : i32
    %c0_i32_1 = arith.constant 0 : i32
    return %c0_i32, %c0_i32_0 : i32, i32
  }
  func.func @transform_2(%arg0: i32) -> (i32, i32) {
    %c0_i32 = arith.constant 0 : i32
    %c0_i32_0 = arith.constant 0 : i32
    %c0_i32_1 = arith.constant 0 : i32
    return %c0_i32, %c0_i32_0 : i32, i32
  }
  func.func @transform_3(%arg0: i32) -> (i32, i32) {
    %c0_i32 = arith.constant 0 : i32
    %c0_i32_0 = arith.constant 0 : i32
    %c0_i32_1 = arith.constant 0 : i32
    return %c0_i32, %c0_i32_0 : i32, i32
  }
  func.func @transform_4(%arg0: i32) -> (i32, i32) {
    %c0_i32 = arith.constant 0 : i32
    %c0_i32_0 = arith.constant 0 : i32
    %c0_i32_1 = arith.constant 0 : i32
    return %c0_i32, %c0_i32_0 : i32, i32
  }
  func.func @transform_5(%arg0: i32) -> (i32, i32) {
    %c0_i32 = arith.constant 0 : i32
    %c0_i32_0 = arith.constant 0 : i32
    return %arg0, %c0_i32 : i32, i32
  }
}

</mosaic_0001>

<sc_bundles>
// kernel: kernel.10.cloned.1.call-start
scs
__scs_entry_jumppad:
0x0: {  	(pc) =	sbr.rel $0x88, $3  }
0x1: {  	(tag) =	ssettag $0x0;
	lr =	simm.s32 $0x1  }
0x2: {  	[smem:$0x3F97] =	sst lr;
	_ =	strace $0xD0000000  }
0x3: {  	_ = 	snop  }
0x4: {  	_ = 	snop  }
0x5: {  	_ = 	snop  }
0x6: {  	_ = 	snop  }
0x7: {  	_ = 	snop  }
__scs_overlays_trampoline_lowered:
0x8: {  	[smem:$0x3FA6] =	sst s0  }
0x9: {  	[smem:$0x3FA7] =	sst s1  }
0xa: {  	[smem:$0x3FA8] =	sst s2  }
0xb: {  	[smem:$0x3FA9] =	sst s3  }
0xc: {  	[smem:$0x3FAA] =	sst s4  }
0xd: {  	[smem:$0x3FAB] =	sst s5  }
0xe: {  	[smem:$0x3FAC] =	sst s6  }
0xf: {  	[smem:$0x3FAD] =	sst s7  }
0x10: {  	[smem:$0x3FAE] =	sst s8  }
0x11: {  	[smem:$0x3FAF] =	sst s9;
	s0 =	simm.s32 @!p0 $0x0  }
0x12: {  	s1 =	sld [smem:$0x3F95];
	s0 =	simm.s32 @p0 $0x1  }
0x13: {  	[smem:$0x3FB0] =	sst s0;
	s0 =	simm.s32 @!p1 $0x0  }
0x14: {  	s2 =	sld [smem:$0x3F94];
	s0 =	simm.s32 @p1 $0x1  }
0x15: {  	[smem:$0x3FB1] =	sst s0;
	s0 =	simm.s32 @!p2 $0x0  }
0x16: {  	s3 =	sld [smem:$0x3FDB];
	s0 =	simm.s32 @p2 $0x1  }
0x17: {  	s4 =	simm.s32 $0x1BF5;
	[smem:$0x3FB3] =	sst s0  }
0x18: {  	s0 =	sld [smem:$0x3F96];
	_ =	swait.ge [sflag:s4], $0x0  }
0x19: {  	s7 =	sld [smem:$0x3F97]  }
0x1a: {  	s8 =	sadd.s32 $0xFFFFE003, lr  }
0x1b: {  	s9 =	sadd.s32 $0xFFFFFEF7, lr;
	s5 =	simm.s32 $0xFFFFFFFF;
	p2 =	slt.u32 s8, $0xFFFFF086  }
0x1c: {  	p1 =	slt.u32 s9, $0xF7A;
	s5 =	simm.s32 @!p2 $0x0  }
0x1d: {  	s5 =	simm.s32 @p1 $0x1;
	p0 =	seq.s32 s7, s2  }
0x1e: {  	s7 =	smul.u32 @!p0 $0xF7A, s2;
	p2 =	seq.s32 @!p0 s5, $0x0  }
0x1f: {  	s9 =	smul.u32 $0xF7A, s1;
	s8 =	simm.s32 @!p0 $0x1BF5;
	p2 =	por !p2, p0  }
0x20: {  	[sflag:s8] =	ssyncset.s32 @!p0 $0xFFFFF086;
	s6 =	sadd.s32 @!p0 s3, s7;
	s7 =	simm.s32 @!p0 $0x108  }
0x21: {  	s3 =	sadd.s32 s3, s9;
	s6 =	sadd.s32 @!p0 $0x88, s6;
	s7 =	simm.s32 @p2 $0x1082  }
0x22: {  	[simem:s7], [sflag:s8] =	dma.local @!p0 [hbm:s6], $0xF7A  }
0x23: {  	s9 =	sor.u32 $0xD0000000, s2;
	s6 =	simm.s32 $0x108;
	_ =	swait.ge @!p0 [sflag:s8], $0x0  }
0x24: {  	s3 =	sadd.s32 $0x88, s3;
	s6 =	simm.s32 @!p1 $0x1082;
	[sflag:s4] =	ssyncset.s32 $0xFFFFF086  }
0x25: {  	[simem:s6], [sflag:s4] =	dma.local [hbm:s3], $0xF7A  }
0x26: {  	[smem:$0x3F97] =	sst s1;
	(tag) =	ssettag s2;
	_ =	strace s9  }
0x27: {  	s1 =	sld [smem:$0x3FA7]  }
0x28: {  	s2 =	sld [smem:$0x3FA8]  }
0x29: {  	s4 =	sld [smem:$0x3FAA]  }
0x2a: {  	p0 =	seq.s32 s5, $0x0;
	s5 =	sld [smem:$0x3FAB]  }
0x2b: {  	s6 =	sld [smem:$0x3FAC]  }
0x2c: {  	s7 =	sld [smem:$0x3FAD]  }
0x2d: {  	s3 =	simm.s32 $0x108;
	s8 =	sld [smem:$0x3FAE]  }
0x2e: {  	s3 =	simm.s32 @!p0 $0x1082;
	s9 =	sld [smem:$0x3FAF]  }
0x2f: {  	lr =	sadd.s32 s0, s3;
	s0 =	sld [smem:$0x3FA6]  }
0x30: {  	s3 =	sld [smem:$0x3FA9]  }
0x31: {  	[smem:$0x3FB2] =	sst s10  }
0x32: {  	s10 =	sld [smem:$0x3FB0];
	_ =	sdelay $0x3  }
0x33: {  	p0 =	seq.s32 s10, $0x1;
	s10 =	sld [smem:$0x3FB2];
	_ =	sdelay $0x3  }
0x34: {  	[smem:$0x3FB2] =	sst s10  }
0x35: {  	s10 =	sld [smem:$0x3FB1];
	_ =	sdelay $0x3  }
0x36: {  	p1 =	seq.s32 s10, $0x1;
	s10 =	sld [smem:$0x3FB2];
	_ =	sdelay $0x3  }
0x37: {  	[smem:$0x3FB2] =	sst s10  }
0x38: {  	s10 =	sld [smem:$0x3FB3]  }
0x39: {  	_ = 	snop;
	(pc) =	sbr.ind lr, $3  }
0x3a: {  	_ = 	snop  }
0x3b: {  	_ = 	snop  }
0x3c: {  	p2 =	seq.s32 s10, $0x1;
	s10 =	sld [smem:$0x3FB2]  }
0x3d: {  	_ =	shalt  }
0x3e: {  	_ =	shalt  }
0x3f: {  	_ =	shalt  }
0x40: {  	_ =	shalt  }
0x41: {  	_ =	shalt  }
0x42: {  	_ =	shalt  }
0x43: {  	_ =	shalt  }
0x44: {  	_ =	shalt  }
0x45: {  	_ =	shalt  }
0x46: {  	_ =	shalt  }
0x47: {  	_ =	shalt  }
0x48: {  	_ =	shalt  }
0x49: {  	_ =	shalt  }
0x4a: {  	_ =	shalt  }
0x4b: {  	_ =	shalt  }
0x4c: {  	_ =	shalt  }
0x4d: {  	_ =	shalt  }
0x4e: {  	_ =	shalt  }
0x4f: {  	_ =	shalt  }
0x50: {  	_ =	shalt  }
0x51: {  	_ =	shalt  }
0x52: {  	_ =	shalt  }
0x53: {  	_ =	shalt  }
0x54: {  	_ =	shalt  }
0x55: {  	_ =	shalt  }
0x56: {  	_ =	shalt  }
0x57: {  	_ =	shalt  }
0x58: {  	_ =	shalt  }
0x59: {  	_ =	shalt  }
0x5a: {  	_ =	shalt  }
0x5b: {  	_ =	shalt  }
0x5c: {  	_ =	shalt  }
0x5d: {  	_ =	shalt  }
0x5e: {  	_ =	shalt  }
0x5f: {  	_ =	shalt  }
0x60: {  	_ =	shalt  }
0x61: {  	_ =	shalt  }
0x62: {  	_ =	shalt  }
0x63: {  	_ =	shalt  }
0x64: {  	_ =	shalt  }
0x65: {  	_ =	shalt  }
0x66: {  	_ =	shalt  }
0x67: {  	_ =	shalt  }
0x68: {  	_ =	shalt  }
0x69: {  	_ =	shalt  }
0x6a: {  	_ =	shalt  }
0x6b: {  	_ =	shalt  }
0x6c: {  	_ =	shalt  }
0x6d: {  	_ =	shalt  }
0x6e: {  	_ =	shalt  }
0x6f: {  	_ =	shalt  }
0x70: {  	_ =	shalt  }
0x71: {  	_ =	shalt  }
0x72: {  	_ =	shalt  }
0x73: {  	_ =	shalt  }
0x74: {  	_ =	shalt  }
0x75: {  	_ =	shalt  }
0x76: {  	_ =	shalt  }
0x77: {  	_ =	shalt  }
0x78: {  	_ =	shalt  }
0x79: {  	_ =	shalt  }
0x7a: {  	_ =	shalt  }
0x7b: {  	_ =	shalt  }
0x7c: {  	_ =	shalt  }
0x7d: {  	_ =	shalt  }
0x7e: {  	_ =	shalt  }
0x7f: {  	_ =	shalt  }
0x80: {  	_ =	shalt  }
0x81: {  	_ =	shalt  }
0x82: {  	_ =	shalt  }
0x83: {  	_ =	shalt  }
0x84: {  	_ =	shalt  }
0x85: {  	_ =	shalt  }
0x86: {  	_ =	shalt  }
0x87: {  	_ =	shalt  }
.Lfunc_end0:
.L_simem_size_0:
called_computation_lowered:
.L_overlay_start_0:
0x88: {  	s2 =	sld [smem:$0x3FD9]  }
0x89: {  	s3 =	sld [smem:$0x3FFE];
	_ =	sdelay $0x1  }
0x8a: {  	s1 =	srdreg.scid  }
0x8b: {  	s0 =	sand.u32 $0x1, s1  }
0x8c: {  	s17 =	sshll.u32 s0, $0xA;
	s2 =	sadd.s32 s3, s2  }
0x8d: {  	s2 =	sadd.s32 s2, s17  }
0x8e: {  	[smem:$0x3FBE] =	sst s2  }
0x8f: {  	_ = 	snop  }
0x90: {  	s2 =	sld [smem:$0x3FD0];
	(tm) =	ssettm $0x1  }
0x91: {  	s18 =	sld [smem:$0x3FFB];
	_ =	sdelay $0x3  }
0x92: {  	_ =	strace s18  }
0x93: {  	s3 =	sld [smem:$0x3FFC];
	_ =	sdelay $0x3  }
0x94: {  	_ =	strace s3  }
0x95: {  	s3 =	sld [smem:$0x3FFD];
	_ =	sdelay $0x3  }
0x96: {  	_ =	strace s3  }
0x97: {  	_ =	strace $0x8FFFFFFF  }
0x98: {  	s19 =	sld [smem:$0x3FDB];
	_ =	sdelay $0x1  }
0x99: {  	s4 =	simm.s32 $_scs_section_size  }
0x9a: {  	s5 =	simm.s32 $_size__tile_overlayer_lowered;
	s6 =	simm.s32 $_tile_overlayer_lowered  }
0x9b: {  	s22 =	simm.s32 $0x1BFF;
	s21 =	sshll.u32 s6, $0x1;
	s3 =	sadd.s32 s4, s19  }
0x9c: {  	s7 =	simm.s32 $0x0;
	s20 =	sshll.u32 s5, $0x1;
	s5 =	sadd.s32 s21, s3  }
0x9d: {  	[timem:s7], [sflag:s22] =	dma.local [hbm:s5], s20  }
0x9e: {  	_ =	swait.ge [sflag:s22], s20  }
0x9f: {  	s4 =	ssub.s32 $0x0, s20;
	[sflag:s22] =	ssyncset.done $0x0  }
0xa0: {  	[sflag:s22] =	ssyncadd.s32 s4;
	_ =	sdelay $0x1  }
0xa1: {  	s23 =	simm.s32 $0x1B8B  }
0xa2: {  	_ =	swait.ge [sflag:s23], $0x1  }
0xa3: {  	[sflag:s23] =	ssyncset.done $0x0  }
0xa4: {  	s25 =	simm.s32 $0x1B8E;
	s24 =	sld [smem:$0x3FFE];
	[sflag:s23] =	ssyncadd.s32 $0xFFFFFFFF  }
0xa5: {  	s26 =	simm.s32 $execute0_lowered;
	[smem:$0x3FD2] =	sst s25  }
0xa6: {  	s5 =	sshll.u32 s26, $0x1;
	_ =	strace $0x80000046;
	[dreg:$0x1] =	wrdreg $0xFFFFFFFF  }
0xa7: {  	s28 =	simm.s32 $_size_execute0_lowered;
	s3 =	sadd.s32 s3, s5;
	[dreg:$0x0] =	wrdreg $0x0  }
0xa8: {  	s5 =	sshll.u32 s28, $0x1;
	[dreg:$0x2] =	wrdreg s3  }
0xa9: {  	[dreg:$0x3] =	wrdreg s5  }
0xaa: {  	[dreg:$0x4] =	wrdreg $0xC0  }
0xab: {  	_ =	task [dreg:s7], $0x5FFFF  }
0xac: {  	[dreg:$0x1] =	wrdreg $0xFFFFFFFF  }
0xad: {  	[dreg:$0x0] =	wrdreg $0x60  }
0xae: {  	[dreg:$0x2] =	wrdreg s24  }
0xaf: {  	[dreg:$0x3] =	wrdreg s2  }
0xb0: {  	[dreg:$0x4] =	wrdreg $0x70000  }
0xb1: {  	[dreg:$0x5] =	wrdreg $0x9  }
0xb2: {  	_ =	task.clear_ibuf [dreg:s7], $0x6FFFF;
	_ =	strace $0x90000046  }
0xb3: {  	s29 =	simm.s32 $0x9;
	_ =	strace $0x80000048  }
0xb4: {  	_ =	swait.ge [sflag:s29], $0x1  }
0xb5: {  	[sflag:s29] =	ssyncadd.s32 $0xFFFFFFFF  }
0xb6: {  	_ =	strace $0x90000048  }
0xb7: {  	_ =	sfence  }
0xb8: {  	s30 =	sld [smem:$0x0];
	_ =	sdelay $0x2  }
0xb9: {  	s31 =	sshll.u32 s1, $0xD;
	s1 =	sshrl.u32 s1, $0x2  }
0xba: {  	s3 =	sand.u32 $0x4000, s31;
	s1 =	sadd.s32 s1, s30  }
0xbb: {  	s0 =	sor.u32 s3, s0;
	s1 =	sshll.u32 s1, $0x11  }
0xbc: {  	s0 =	sor.u32 s1, s0  }
0xbd: {  	s0 =	sadd.s32 $0x8F2B, s0  }
0xbe: {  	[sflag:s0] =	ssyncadd.remote.s32 $0x1  }
0xbf: {  	_ =	sfence.sel $0xFFFF  }
0xc0: {  	[dreg:$0x0] =	wrdreg $0xFFFFFFFF;
	(pc) =	sbr.abs _section_cstart, $3  }
0xc1: {  	[dreg:$0x1] =	wrdreg $0xFFFFFFFF  }
0xc2: {  	_ =	task.clear_ibuf [dreg:s7], $0x2FFFF;
	_ =	strace $0x9FFFFFFF  }
0xc3: {  	(tm) =	ssettm $0x7FFFFFFF  }
tec
execute0_lowered:
.L_overlay_start_1:
0x0: {  	(tag) =	ssettag $0x1  }
0x1: {  	s6 =	rddreg [dreg:$0x0]  }
0x2: {  	s1 =	srdreg.scid;
	s2 =	rddreg [dreg:$0x1]  }
0x3: {  	s0 =	stileid.u32;
	s3 =	rddreg [dreg:$0x2];
	s4 =	simm.s32 $0x0  }
0x4: {  	s12 =	simm.s32 $0x6800;
	s13 =	simm.s32 $0x80;
	s16 =	simm.s32 $0x0  }
0x5: {  	s5 =	sand.u32 $0x1, s1;
	s1 =	rddreg [dreg:$0x3];
	s8 =	smul.u32 $0x2800, s0  }
0x6: {  	s29 =	sshll.u32 s0, $0x1;
	[smem:$0x7FF] =	sst s4;
	s11 =	smul.u32 $0x50000, s0  }
0x7: {  	s14 =	sshll.u32 s0, $0x6;
	s7 =	sor.u32 s5, s29;
	_ =	strace $0x80000047  }
0x8: {  	s9 =	smul.u32 $0x28000, s5;
	s10 =	ssub.s32 $0x2, s5;
	s5 =	sadd.s32 $0xCC00, s6  }
0x9: {  	s14 =	sor.u32 $0x1C01, s14;
	s7 =	smul.u32 $0x500, s7;
	s30 =	sshrl.u32 s10, $0x1  }
0xa: {  	s31 =	sshrl.u32 s11, $0x2;
	s11 =	simm.s32 $0x2800;
	s8 =	sadd.s32 s8, s9  }
0xb: {  	s9 =	ssub.s32 s10, s30;
	s10 =	simm.s32 $0x1;
	s7 =	sadd.s32 s7, s6  }
0xc: {  	s8 =	sadd.s32 s8, s6;
	s6 =	sadd.s32 $0x2C00, s7;
	s7 =	sadd.s32 s31, s3  }
0xd: {  	s9 =	smax.u32 s9, $0x1;
	s8 =	sadd.s32 $0xCE00, s8;
	s15 =	sshrl.u32 s7, $0x3  }
.LBB2_1:
0xe: {  	[tilespmem:s4], [sflag:$0x1] =	stream.linear.gather [hbm4b:s6+s4], $0x2780, $0x38;
	[tilespmem:$0x9800] =	vst v63  }
0xf: {  	_ =	swait.ge [sflag:s10], $0x2780  }
0x10: {  	[sflag:s10] =	ssyncset.done $0x0  }
0x11: {  	[sflag:s10] =	ssyncadd.s32 $0xFFFFD880  }
0x12: {  	[tilespmem:s11], [sflag:$0x1] =	stream.linear.gather [hbm4b:s2+s4], $0x4000, $0x38;
	[tilespmem:$0x9800] =	vst v63  }
0x13: {  	_ =	swait.ge [sflag:s10], $0x4000  }
0x14: {  	[sflag:s10] =	ssyncset.done $0x0  }
0x15: {  	[sflag:s10] =	ssyncadd.s32 $0xFFFFC000  }
0x16: {  	[tilespmem:s12], [sflag:$0x1] =	stream.linear.gather [hbm4b:s5+s4], $0x800, $0x38;
	[tilespmem:$0x9800] =	vst v63  }
0x17: {  	_ =	swait.ge [sflag:s10], $0x800  }
0x18: {  	[sflag:s10] =	ssyncset.done $0x0  }
0x19: {  	s17 =	sadd.s32 $0x0, s7;
	[sflag:s10] =	ssyncadd.s32 $0xFFFFF800  }
0x1a: {  	[spmem:s17] =	stream.linear.scatter [tilespmem:s12], [sflag:$0x1], $0x800, $0x38;
	[tilespmem:$0x9800] =	vst v63  }
0x1b: {  	s17 =	simm.s32 $0x2000;
	_ =	swait.ge [sflag:s10], $0x800  }
.LBB2_2:
0x1c: {  	s18 =	sshra.s32 s17, $0x2;
	[sflag:s10] =	ssyncset.done $0x0;
	p0 =	sne.s32 s17, $0x4E000  }
.Ltmp0:
0x1d: {  	s18 =	sadd.s32 s18, s7;
	[sflag:s10] =	ssyncadd.s32 $0xFFFFF800;
	(pc) =	sbr.rel @p0 .LBB2_2-.Ltmp0, $3  }
0x1e: {  	[spmem:s18] =	stream.linear.scatter [tilespmem:s12], [sflag:$0x1], $0x800, $0x38;
	[tilespmem:$0x9800] =	vst v63  }
0x1f: {  	s17 =	sadd.s32 $0x2000, s17;
	_ =	sdelay $0x1  }
0x20: {  	_ =	swait.ge [sflag:s10], $0x800  }
0x21: {  	[sflag:s10] =	ssyncset.done $0x0  }
0x22: {  	[sflag:s10] =	ssyncadd.s32 $0xFFFFF800  }
0x23: {  	s17 =	simm.s32 $0x0;
	[bflag:$0x0] =	sbarrier.arrive $0xFFFF  }
0x24: {  	[spmem:s3] =	stream.indirect.scatter.add.f32 [tilespmem:s11], [sflag:$0x1], $0x10, s17, s13, $0xb8;
	[tilespmem:$0x9800] =	vst v63  }
0x25: {  	_ =	swait.ge [sflag:s10], $0x800  }
0x26: {  	s17 =	simm.s32 $0x200;
	[sflag:s10] =	ssyncset.done $0x0  }
.LBB2_4:
0x27: {  	s18 =	sshra.s32 s17, $0x2;
	[sflag:s10] =	ssyncadd.s32 $0xFFFFF800;
	p0 =	sne.s32 s17, $0x9C00  }
0x28: {  	[spmem:s3] =	stream.indirect.scatter.add.f32 [tilespmem:s11], [sflag:$0x1], $0x10, s18, s13, $0xb8;
	[tilespmem:$0x9800] =	vst v63  }
.Ltmp1:
0x29: {  	_ = 	snop;
	(pc) =	sbr.rel @p0 .LBB2_4-.Ltmp1, $4  }
0x2a: {  	_ = 	snop  }
0x2b: {  	s17 =	sadd.s32 $0x200, s17  }
0x2c: {  	_ =	swait.ge [sflag:s10], $0x800  }
0x2d: {  	[sflag:s10] =	ssyncset.done $0x0  }
0x2e: {  	s16 =	sadd.s32 $0x1, s16  }
0x2f: {  	[sflag:s10] =	ssyncadd.s32 $0xFFFFF800;
	p0 =	sne.s32 s16, s9  }
.Ltmp2:
0x30: {  	[bflag:$0x0] =	sbarrier.arrive $0xFFFF;
	(pc) =	sbr.rel @p0 .LBB2_1-.Ltmp2, $4  }
0x31: {  	[hbm:s8], [sflag:s14] =	dma.local [spmem:s15], $0x2800  }
0x32: {  	_ =	swait.ge [sflag:s10], $0x2800  }
0x33: {  	[sflag:s10] =	ssyncset.done $0x0  }
0x34: {  	[sflag:s10] =	ssyncadd.s32 $0xFFFFD800  }
0x35: {  	_ =	sfence.sel $0x180000  }
0x36: {  	[bflag:$0x0] =	sbarrier.arrive $0xFFFF  }
0x37: {  	p0 =	sne.s32 s0, $0x0;
	_ =	strace $0x90000047  }
0x38: {  	s0 =	sadd.s32 @!p0 $0x100000, s1;
	[bflag:$0x2] =	sbarrier.arrive $0xFFFF  }
0x39: {  	[sflag:s0] =	ssyncadd.tile.s32 @!p0 $0x1;
	_ =	shalt  }
.Lfunc_end2:
_tile_overlayer_lowered:
.L_overlay_start_2:
0x3a: {  	(tag) =	ssettag $0x2  }
0x3b: {  	s0 =	rddreg [dreg:$0x0];
	s2 =	stileid.u32  }
0x3c: {  	s1 =	rddreg [dreg:$0x1];
	p0 =	sne.s32 s2, $0x0  }
0x3d: {  	s3 =	rddreg [dreg:$0x2];
	[bflag:$0x3] =	sbarrier.arrive $0xFFFF;
	s2 =	simm.s32 @!p0 $0x1C01  }
0x3e: {  	[timem:s3], [sflag:s2] =	dma.local @!p0 [hbm:s0], s1  }
0x3f: {  	s0 =	simm.s32 @!p0 $0x1  }
0x40: {  	_ =	swait.ge @!p0 [sflag:s0], s1  }
0x41: {  	s1 =	ssub.s32 @!p0 $0x0, s1;
	[sflag:s0] =	ssyncset.done @!p0 $0x0  }
0x42: {  	[sflag:s0] =	ssyncadd.s32 @!p0 s1  }
0x43: {  	[bflag:$0x3] =	sbarrier.arrive $0xFFFF  }
0x44: {  	_ =	shalt  }

// kernel: kernel.13.cloned.1.call-start
scs
__scs_entry_jumppad:
0x0: {  	(pc) =	sbr.rel $0x88, $3  }
0x1: {  	(tag) =	ssettag $0x0;
	lr =	simm.s32 $0x1  }
0x2: {  	[smem:$0x3F97] =	sst lr;
	_ =	strace $0xD0000000  }
0x3: {  	_ = 	snop  }
0x4: {  	_ = 	snop  }
0x5: {  	_ = 	snop  }
0x6: {  	_ = 	snop  }
0x7: {  	_ = 	snop  }
__scs_overlays_trampoline_lowered:
0x8: {  	[smem:$0x3FA6] =	sst s0  }
0x9: {  	[smem:$0x3FA7] =	sst s1  }
0xa: {  	[smem:$0x3FA8] =	sst s2  }
0xb: {  	[smem:$0x3FA9] =	sst s3  }
0xc: {  	[smem:$0x3FAA] =	sst s4  }
0xd: {  	[smem:$0x3FAB] =	sst s5  }
0xe: {  	[smem:$0x3FAC] =	sst s6  }
0xf: {  	[smem:$0x3FAD] =	sst s7  }
0x10: {  	[smem:$0x3FAE] =	sst s8  }
0x11: {  	[smem:$0x3FAF] =	sst s9;
	s0 =	simm.s32 @!p0 $0x0  }
0x12: {  	s1 =	sld [smem:$0x3F95];
	s0 =	simm.s32 @p0 $0x1  }
0x13: {  	[smem:$0x3FB0] =	sst s0;
	s0 =	simm.s32 @!p1 $0x0  }
0x14: {  	s2 =	sld [smem:$0x3F94];
	s0 =	simm.s32 @p1 $0x1  }
0x15: {  	[smem:$0x3FB1] =	sst s0;
	s0 =	simm.s32 @!p2 $0x0  }
0x16: {  	s3 =	sld [smem:$0x3FDB];
	s0 =	simm.s32 @p2 $0x1  }
0x17: {  	s4 =	simm.s32 $0x1BF5;
	[smem:$0x3FB3] =	sst s0  }
0x18: {  	s0 =	sld [smem:$0x3F96];
	_ =	swait.ge [sflag:s4], $0x0  }
0x19: {  	s7 =	sld [smem:$0x3F97]  }
0x1a: {  	s8 =	sadd.s32 $0xFFFFE003, lr  }
0x1b: {  	s9 =	sadd.s32 $0xFFFFFEF7, lr;
	s5 =	simm.s32 $0xFFFFFFFF;
	p2 =	slt.u32 s8, $0xFFFFF086  }
0x1c: {  	p1 =	slt.u32 s9, $0xF7A;
	s5 =	simm.s32 @!p2 $0x0  }
0x1d: {  	s5 =	simm.s32 @p1 $0x1;
	p0 =	seq.s32 s7, s2  }
0x1e: {  	s7 =	smul.u32 @!p0 $0xF7A, s2;
	p2 =	seq.s32 @!p0 s5, $0x0  }
0x1f: {  	s9 =	smul.u32 $0xF7A, s1;
	s8 =	simm.s32 @!p0 $0x1BF5;
	p2 =	por !p2, p0  }
0x20: {  	[sflag:s8] =	ssyncset.s32 @!p0 $0xFFFFF086;
	s6 =	sadd.s32 @!p0 s3, s7;
	s7 =	simm.s32 @!p0 $0x108  }
0x21: {  	s3 =	sadd.s32 s3, s9;
	s6 =	sadd.s32 @!p0 $0x88, s6;
	s7 =	simm.s32 @p2 $0x1082  }
0x22: {  	[simem:s7], [sflag:s8] =	dma.local @!p0 [hbm:s6], $0xF7A  }
0x23: {  	s9 =	sor.u32 $0xD0000000, s2;
	s6 =	simm.s32 $0x108;
	_ =	swait.ge @!p0 [sflag:s8], $0x0  }
0x24: {  	s3 =	sadd.s32 $0x88, s3;
	s6 =	simm.s32 @!p1 $0x1082;
	[sflag:s4] =	ssyncset.s32 $0xFFFFF086  }
0x25: {  	[simem:s6], [sflag:s4] =	dma.local [hbm:s3], $0xF7A  }
0x26: {  	[smem:$0x3F97] =	sst s1;
	(tag) =	ssettag s2;
	_ =	strace s9  }
0x27: {  	s1 =	sld [smem:$0x3FA7]  }
0x28: {  	s2 =	sld [smem:$0x3FA8]  }
0x29: {  	s4 =	sld [smem:$0x3FAA]  }
0x2a: {  	p0 =	seq.s32 s5, $0x0;
	s5 =	sld [smem:$0x3FAB]  }
0x2b: {  	s6 =	sld [smem:$0x3FAC]  }
0x2c: {  	s7 =	sld [smem:$0x3FAD]  }
0x2d: {  	s3 =	simm.s32 $0x108;
	s8 =	sld [smem:$0x3FAE]  }
0x2e: {  	s3 =	simm.s32 @!p0 $0x1082;
	s9 =	sld [smem:$0x3FAF]  }
0x2f: {  	lr =	sadd.s32 s0, s3;
	s0 =	sld [smem:$0x3FA6]  }
0x30: {  	s3 =	sld [smem:$0x3FA9]  }
0x31: {  	[smem:$0x3FB2] =	sst s10  }
0x32: {  	s10 =	sld [smem:$0x3FB0];
	_ =	sdelay $0x3  }
0x33: {  	p0 =	seq.s32 s10, $0x1;
	s10 =	sld [smem:$0x3FB2];
	_ =	sdelay $0x3  }
0x34: {  	[smem:$0x3FB2] =	sst s10  }
0x35: {  	s10 =	sld [smem:$0x3FB1];
	_ =	sdelay $0x3  }
0x36: {  	p1 =	seq.s32 s10, $0x1;
	s10 =	sld [smem:$0x3FB2];
	_ =	sdelay $0x3  }
0x37: {  	[smem:$0x3FB2] =	sst s10  }
0x38: {  	s10 =	sld [smem:$0x3FB3]  }
0x39: {  	_ = 	snop;
	(pc) =	sbr.ind lr, $3  }
0x3a: {  	_ = 	snop  }
0x3b: {  	_ = 	snop  }
0x3c: {  	p2 =	seq.s32 s10, $0x1;
	s10 =	sld [smem:$0x3FB2]  }
0x3d: {  	_ =	shalt  }
0x3e: {  	_ =	shalt  }
0x3f: {  	_ =	shalt  }
0x40: {  	_ =	shalt  }
0x41: {  	_ =	shalt  }
0x42: {  	_ =	shalt  }
0x43: {  	_ =	shalt  }
0x44: {  	_ =	shalt  }
0x45: {  	_ =	shalt  }
0x46: {  	_ =	shalt  }
0x47: {  	_ =	shalt  }
0x48: {  	_ =	shalt  }
0x49: {  	_ =	shalt  }
0x4a: {  	_ =	shalt  }
0x4b: {  	_ =	shalt  }
0x4c: {  	_ =	shalt  }
0x4d: {  	_ =	shalt  }
0x4e: {  	_ =	shalt  }
0x4f: {  	_ =	shalt  }
0x50: {  	_ =	shalt  }
0x51: {  	_ =	shalt  }
0x52: {  	_ =	shalt  }
0x53: {  	_ =	shalt  }
0x54: {  	_ =	shalt  }
0x55: {  	_ =	shalt  }
0x56: {  	_ =	shalt  }
0x57: {  	_ =	shalt  }
0x58: {  	_ =	shalt  }
0x59: {  	_ =	shalt  }
0x5a: {  	_ =	shalt  }
0x5b: {  	_ =	shalt  }
0x5c: {  	_ =	shalt  }
0x5d: {  	_ =	shalt  }
0x5e: {  	_ =	shalt  }
0x5f: {  	_ =	shalt  }
0x60: {  	_ =	shalt  }
0x61: {  	_ =	shalt  }
0x62: {  	_ =	shalt  }
0x63: {  	_ =	shalt  }
0x64: {  	_ =	shalt  }
0x65: {  	_ =	shalt  }
0x66: {  	_ =	shalt  }
0x67: {  	_ =	shalt  }
0x68: {  	_ =	shalt  }
0x69: {  	_ =	shalt  }
0x6a: {  	_ =	shalt  }
0x6b: {  	_ =	shalt  }
0x6c: {  	_ =	shalt  }
0x6d: {  	_ =	shalt  }
0x6e: {  	_ =	shalt  }
0x6f: {  	_ =	shalt  }
0x70: {  	_ =	shalt  }
0x71: {  	_ =	shalt  }
0x72: {  	_ =	shalt  }
0x73: {  	_ =	shalt  }
0x74: {  	_ =	shalt  }
0x75: {  	_ =	shalt  }
0x76: {  	_ =	shalt  }
0x77: {  	_ =	shalt  }
0x78: {  	_ =	shalt  }
0x79: {  	_ =	shalt  }
0x7a: {  	_ =	shalt  }
0x7b: {  	_ =	shalt  }
0x7c: {  	_ =	shalt  }
0x7d: {  	_ =	shalt  }
0x7e: {  	_ =	shalt  }
0x7f: {  	_ =	shalt  }
0x80: {  	_ =	shalt  }
0x81: {  	_ =	shalt  }
0x82: {  	_ =	shalt  }
0x83: {  	_ =	shalt  }
0x84: {  	_ =	shalt  }
0x85: {  	_ =	shalt  }
0x86: {  	_ =	shalt  }
0x87: {  	_ =	shalt  }
.Lfunc_end0:
.L_simem_size_0:
called_computation.1_lowered:
.L_overlay_start_0:
0x88: {  	s2 =	sld [smem:$0x3FD9]  }
0x89: {  	s3 =	sld [smem:$0x3FFE];
	_ =	sdelay $0x1  }
0x8a: {  	s1 =	srdreg.scid  }
0x8b: {  	s0 =	sand.u32 $0x1, s1  }
0x8c: {  	s17 =	sshll.u32 s0, $0xA;
	s2 =	sadd.s32 s3, s2  }
0x8d: {  	s2 =	sadd.s32 s2, s17  }
0x8e: {  	[smem:$0x3FBE] =	sst s2  }
0x8f: {  	_ = 	snop  }
0x90: {  	s2 =	sld [smem:$0x3FD0];
	(tm) =	ssettm $0x1  }
0x91: {  	s18 =	sld [smem:$0x3FFB];
	_ =	sdelay $0x3  }
0x92: {  	_ =	strace s18  }
0x93: {  	s3 =	sld [smem:$0x3FFC];
	_ =	sdelay $0x3  }
0x94: {  	_ =	strace s3  }
0x95: {  	s3 =	sld [smem:$0x3FFD];
	_ =	sdelay $0x3  }
0x96: {  	_ =	strace s3  }
0x97: {  	_ =	strace $0x8FFFFFFF  }
0x98: {  	s19 =	sld [smem:$0x3FDB];
	_ =	sdelay $0x1  }
0x99: {  	s4 =	simm.s32 $_scs_section_size  }
0x9a: {  	s5 =	simm.s32 $_size__tile_overlayer_lowered;
	s6 =	simm.s32 $_tile_overlayer_lowered  }
0x9b: {  	s22 =	simm.s32 $0x1BFF;
	s21 =	sshll.u32 s6, $0x1;
	s3 =	sadd.s32 s4, s19  }
0x9c: {  	s7 =	simm.s32 $0x0;
	s20 =	sshll.u32 s5, $0x1;
	s5 =	sadd.s32 s21, s3  }
0x9d: {  	[timem:s7], [sflag:s22] =	dma.local [hbm:s5], s20  }
0x9e: {  	_ =	swait.ge [sflag:s22], s20  }
0x9f: {  	s4 =	ssub.s32 $0x0, s20;
	[sflag:s22] =	ssyncset.done $0x0  }
0xa0: {  	[sflag:s22] =	ssyncadd.s32 s4;
	_ =	sdelay $0x1  }
0xa1: {  	s23 =	simm.s32 $0x1B8B  }
0xa2: {  	_ =	swait.ge [sflag:s23], $0x1  }
0xa3: {  	[sflag:s23] =	ssyncset.done $0x0  }
0xa4: {  	s25 =	simm.s32 $0x1B8E;
	s24 =	sld [smem:$0x3FFE];
	[sflag:s23] =	ssyncadd.s32 $0xFFFFFFFF  }
0xa5: {  	s26 =	simm.s32 $execute0_lowered;
	[smem:$0x3FD2] =	sst s25  }
0xa6: {  	s5 =	sshll.u32 s26, $0x1;
	_ =	strace $0x80000049;
	[dreg:$0x1] =	wrdreg $0xFFFFFFFF  }
0xa7: {  	s28 =	simm.s32 $_size_execute0_lowered;
	s3 =	sadd.s32 s3, s5;
	[dreg:$0x0] =	wrdreg $0x0  }
0xa8: {  	s5 =	sshll.u32 s28, $0x1;
	[dreg:$0x2] =	wrdreg s3  }
0xa9: {  	[dreg:$0x3] =	wrdreg s5  }
0xaa: {  	[dreg:$0x4] =	wrdreg $0xC0  }
0xab: {  	_ =	task [dreg:s7], $0x5FFFF  }
0xac: {  	[dreg:$0x1] =	wrdreg $0xFFFFFFFF  }
0xad: {  	[dreg:$0x0] =	wrdreg $0x60  }
0xae: {  	[dreg:$0x2] =	wrdreg s2  }
0xaf: {  	[dreg:$0x3] =	wrdreg s24  }
0xb0: {  	[dreg:$0x4] =	wrdreg $0x98000  }
0xb1: {  	[dreg:$0x5] =	wrdreg $0x9  }
0xb2: {  	_ =	task.clear_ibuf [dreg:s7], $0x6FFFF;
	_ =	strace $0x90000049  }
0xb3: {  	s29 =	simm.s32 $0x9;
	_ =	strace $0x8000004B  }
0xb4: {  	_ =	swait.ge [sflag:s29], $0x1  }
0xb5: {  	[sflag:s29] =	ssyncadd.s32 $0xFFFFFFFF  }
0xb6: {  	_ =	strace $0x9000004B  }
0xb7: {  	_ =	sfence  }
0xb8: {  	s30 =	sld [smem:$0x0];
	_ =	sdelay $0x2  }
0xb9: {  	s31 =	sshll.u32 s1, $0xD;
	s1 =	sshrl.u32 s1, $0x2  }
0xba: {  	s3 =	sand.u32 $0x4000, s31;
	s1 =	sadd.s32 s1, s30  }
0xbb: {  	s0 =	sor.u32 s3, s0;
	s1 =	sshll.u32 s1, $0x11  }
0xbc: {  	s0 =	sor.u32 s1, s0  }
0xbd: {  	s0 =	sadd.s32 $0x8F2B, s0  }
0xbe: {  	[sflag:s0] =	ssyncadd.remote.s32 $0x1  }
0xbf: {  	_ =	sfence.sel $0xFFFF  }
0xc0: {  	[dreg:$0x0] =	wrdreg $0xFFFFFFFF;
	(pc) =	sbr.abs _section_cstart, $3  }
0xc1: {  	[dreg:$0x1] =	wrdreg $0xFFFFFFFF  }
0xc2: {  	_ =	task.clear_ibuf [dreg:s7], $0x2FFFF;
	_ =	strace $0x9FFFFFFF  }
0xc3: {  	(tm) =	ssettm $0x7FFFFFFF  }
tec
execute0_lowered:
.L_overlay_start_1:
0x0: {  	(tag) =	ssettag $0x1  }
0x1: {  	s1 =	rddreg [dreg:$0x0]  }
0x2: {  	s2 =	srdreg.scid;
	s6 =	rddreg [dreg:$0x1]  }
0x3: {  	s0 =	stileid.u32;
	s3 =	rddreg [dreg:$0x2];
	s4 =	simm.s32 $0x0  }
0x4: {  	s13 =	simm.s32 $0x9000;
	s14 =	simm.s32 $0x80;
	s15 =	simm.s32 $0x5000  }
0x5: {  	s16 =	simm.s32 $0x1;
	s19 =	simm.s32 $0x0;
	s5 =	sand.u32 $0x1, s2  }
0x6: {  	s29 =	sshll.u32 s0, $0x1;
	s2 =	rddreg [dreg:$0x3];
	s8 =	smul.u32 $0x2800, s0  }
0x7: {  	[smem:$0x7FF] =	sst s4;
	s11 =	smul.u32 $0x50000, s0;
	s17 =	sshll.u32 s0, $0x6  }
0x8: {  	s7 =	sor.u32 s5, s29;
	_ =	strace $0x8000004A;
	s9 =	smul.u32 $0x28000, s5  }
0x9: {  	s10 =	ssub.s32 $0x2, s5;
	s5 =	sadd.s32 $0x33E00, s6;
	s17 =	sor.u32 $0x1C02, s17  }
0xa: {  	s7 =	smul.u32 $0x500, s7;
	s30 =	sshrl.u32 s10, $0x1;
	s31 =	sshrl.u32 s11, $0x2  }
0xb: {  	s11 =	simm.s32 $0x2;
	s8 =	sadd.s32 s8, s9;
	s10 =	ssub.s32 s10, s30  }
0xc: {  	s7 =	sadd.s32 s7, s6;
	s12 =	sadd.s32 s8, s6;
	s8 =	sadd.s32 s31, s3  }
0xd: {  	s10 =	smax.u32 s10, $0x1;
	s6 =	sadd.s32 $0x5CE00, s7;
	s7 =	sadd.s32 $0x2C00, s7  }
0xe: {  	s9 =	sadd.s32 $0x66E00, s12;
	s12 =	simm.s32 $0x2800;
	s18 =	sshrl.u32 s8, $0x3  }
.LBB2_1:
0xf: {  	[tilespmem:s4], [sflag:$0x2] =	stream.linear.gather [hbm4b:s6+s4], $0x2780, $0x38;
	[tilespmem:$0x1D800] =	vst v63  }
0x10: {  	_ =	swait.ge [sflag:s11], $0x2780  }
0x11: {  	[sflag:s11] =	ssyncset.done $0x0  }
0x12: {  	[sflag:s11] =	ssyncadd.s32 $0xFFFFD880  }
0x13: {  	[tilespmem:s12], [sflag:$0x2] =	stream.linear.gather [hbm4b:s7+s4], $0x2780, $0x38;
	[tilespmem:$0x1D800] =	vst v63  }
0x14: {  	_ =	swait.ge [sflag:s11], $0x2780  }
0x15: {  	[sflag:s11] =	ssyncset.done $0x0  }
0x16: {  	[sflag:s11] =	ssyncadd.s32 $0xFFFFD880  }
0x17: {  	[tilespmem:s13], [sflag:$0x2] =	stream.linear.gather [hbm4b:s5+s4], $0x800, $0x38;
	[tilespmem:$0x1D800] =	vst v63  }
0x18: {  	_ =	swait.ge [sflag:s11], $0x800  }
0x19: {  	[sflag:s11] =	ssyncset.done $0x0  }
0x1a: {  	s20 =	sadd.s32 $0x0, s8;
	[sflag:s11] =	ssyncadd.s32 $0xFFFFF800  }
0x1b: {  	[spmem:s20] =	stream.linear.scatter [tilespmem:s13], [sflag:$0x2], $0x800, $0x38;
	[tilespmem:$0x1D800] =	vst v63  }
0x1c: {  	s20 =	simm.s32 $0x2000;
	_ =	swait.ge [sflag:s11], $0x800  }
.LBB2_2:
0x1d: {  	s21 =	sshra.s32 s20, $0x2;
	[sflag:s11] =	ssyncset.done $0x0;
	p0 =	sne.s32 s20, $0x4E000  }
.Ltmp0:
0x1e: {  	s21 =	sadd.s32 s21, s8;
	[sflag:s11] =	ssyncadd.s32 $0xFFFFF800;
	(pc) =	sbr.rel @p0 .LBB2_2-.Ltmp0, $3  }
0x1f: {  	[spmem:s21] =	stream.linear.scatter [tilespmem:s13], [sflag:$0x2], $0x800, $0x38;
	[tilespmem:$0x1D800] =	vst v63  }
0x20: {  	s20 =	sadd.s32 $0x2000, s20;
	_ =	sdelay $0x1  }
0x21: {  	_ =	swait.ge [sflag:s11], $0x800  }
0x22: {  	[sflag:s11] =	ssyncset.done $0x0  }
0x23: {  	[sflag:s11] =	ssyncadd.s32 $0xFFFFF800  }
0x24: {  	s20 =	simm.s32 $0x0;
	[bflag:$0x0] =	sbarrier.arrive $0xFFFF  }
0x25: {  	[tilespmem:s15], [sflag:$0x1] =	stream.indirect.gather [hbm4b:s1+s14], $0x80, s20, s14, $0xb8;
	[tilespmem:$0x1D800] =	vst v63  }
0x26: {  	_ =	swait.ge [sflag:s16], $0x4000  }
0x27: {  	[sflag:s16] =	ssyncset.done $0x0  }
0x28: {  	s31 =	simm.s32 $0x2800;
	[sflag:s16] =	ssyncadd.s32 $0xFFFFC000  }
0x29: {  	[spmem:s3] =	stream.indirect.scatter.add.f32 [tilespmem:s15], [sflag:$0x2], $0x80, s31, s14, $0xb8;
	[tilespmem:$0x1D800] =	vst v63  }
0x2a: {  	_ =	swait.ge [sflag:s11], $0x4000  }
0x2b: {  	s21 =	simm.s32 $0x400;
	s20 =	simm.s32 $0x200;
	[sflag:s11] =	ssyncset.done $0x0  }
.LBB2_4:
0x2c: {  	s22 =	sshra.s32 s20, $0x2  }
0x2d: {  	[sflag:s11] =	ssyncadd.s32 $0xFFFFC000;
	s20 =	smov.u32 s21;
	s23 =	sadd.s32 $0x200, s21  }
0x2e: {  	[tilespmem:s15], [sflag:$0x1] =	stream.indirect.gather [hbm4b:s1+s14], $0x80, s22, s14, $0xb8;
	[tilespmem:$0x1D800] =	vst v63  }
0x2f: {  	p0 =	sne.s32 s21, $0x9C00;
	_ =	swait.ge [sflag:s16], $0x4000  }
.Ltmp1:
0x30: {  	[sflag:s16] =	ssyncset.done $0x0;
	(pc) =	sbr.rel @p0 .LBB2_4-.Ltmp1, $4  }
0x31: {  	s21 =	sadd.s32 $0x2800, s22;
	[sflag:s16] =	ssyncadd.s32 $0xFFFFC000  }
0x32: {  	[spmem:s3] =	stream.indirect.scatter.add.f32 [tilespmem:s15], [sflag:$0x2], $0x80, s21, s14, $0xb8;
	[tilespmem:$0x1D800] =	vst v63  }
0x33: {  	_ =	swait.ge [sflag:s11], $0x4000  }
0x34: {  	s21 =	smov.u32 s23;
	[sflag:s11] =	ssyncset.done $0x0  }
0x35: {  	s20 =	sshra.s32 s20, $0x2;
	[sflag:s11] =	ssyncadd.s32 $0xFFFFC000  }
0x36: {  	[tilespmem:s15], [sflag:$0x1] =	stream.indirect.gather [hbm4b:s1+s14], $0x80, s20, s14, $0xb8;
	[tilespmem:$0x1D800] =	vst v63  }
0x37: {  	_ =	swait.ge [sflag:s16], $0x4000  }
0x38: {  	[sflag:s16] =	ssyncset.done $0x0  }
0x39: {  	s20 =	sadd.s32 $0x2800, s20;
	[sflag:s16] =	ssyncadd.s32 $0xFFFFC000  }
0x3a: {  	[spmem:s3] =	stream.indirect.scatter.add.f32 [tilespmem:s15], [sflag:$0x2], $0x80, s20, s14, $0xb8;
	[tilespmem:$0x1D800] =	vst v63  }
0x3b: {  	_ =	swait.ge [sflag:s11], $0x4000  }
0x3c: {  	s19 =	sadd.s32 $0x1, s19;
	[sflag:s11] =	ssyncset.done $0x0  }
0x3d: {  	p0 =	sne.s32 s19, s10;
	[sflag:s11] =	ssyncadd.s32 $0xFFFFC000  }
.Ltmp2:
0x3e: {  	[bflag:$0x0] =	sbarrier.arrive $0xFFFF;
	(pc) =	sbr.rel @p0 .LBB2_1-.Ltmp2, $4  }
0x3f: {  	[hbm:s9], [sflag:s17] =	dma.local [spmem:s18], $0x2800  }
0x40: {  	_ =	swait.ge [sflag:s11], $0x2800  }
0x41: {  	[sflag:s11] =	ssyncset.done $0x0  }
0x42: {  	[sflag:s11] =	ssyncadd.s32 $0xFFFFD800  }
0x43: {  	_ =	sfence.sel $0x180000  }
0x44: {  	[bflag:$0x0] =	sbarrier.arrive $0xFFFF  }
0x45: {  	p0 =	sne.s32 s0, $0x0;
	_ =	strace $0x9000004A  }
0x46: {  	s0 =	sadd.s32 @!p0 $0x100000, s2;
	[bflag:$0x2] =	sbarrier.arrive $0xFFFF  }
0x47: {  	[sflag:s0] =	ssyncadd.tile.s32 @!p0 $0x1;
	_ =	shalt  }
.Lfunc_end2:
_tile_overlayer_lowered:
.L_overlay_start_2:
0x48: {  	(tag) =	ssettag $0x2  }
0x49: {  	s0 =	rddreg [dreg:$0x0];
	s2 =	stileid.u32  }
0x4a: {  	s1 =	rddreg [dreg:$0x1];
	p0 =	sne.s32 s2, $0x0  }
0x4b: {  	s3 =	rddreg [dreg:$0x2];
	[bflag:$0x3] =	sbarrier.arrive $0xFFFF;
	s2 =	simm.s32 @!p0 $0x1C02  }
0x4c: {  	[timem:s3], [sflag:s2] =	dma.local @!p0 [hbm:s0], s1  }
0x4d: {  	s0 =	simm.s32 @!p0 $0x2  }
0x4e: {  	_ =	swait.ge @!p0 [sflag:s0], s1  }
0x4f: {  	s1 =	ssub.s32 @!p0 $0x0, s1;
	[sflag:s0] =	ssyncset.done @!p0 $0x0  }
0x50: {  	[sflag:s0] =	ssyncadd.s32 @!p0 s1  }
0x51: {  	[bflag:$0x3] =	sbarrier.arrive $0xFFFF  }
0x52: {  	_ =	shalt  }

// kernel: kernel.16.cloned.1.call-start
scs
__scs_entry_jumppad:
0x0: {  	(pc) =	sbr.rel $0x88, $3  }
0x1: {  	(tag) =	ssettag $0x0;
	lr =	simm.s32 $0x1  }
0x2: {  	[smem:$0x3F97] =	sst lr;
	_ =	strace $0xD0000000  }
0x3: {  	_ = 	snop  }
0x4: {  	_ = 	snop  }
0x5: {  	_ = 	snop  }
0x6: {  	_ = 	snop  }
0x7: {  	_ = 	snop  }
__scs_overlays_trampoline_lowered:
0x8: {  	[smem:$0x3FA6] =	sst s0  }
0x9: {  	[smem:$0x3FA7] =	sst s1  }
0xa: {  	[smem:$0x3FA8] =	sst s2  }
0xb: {  	[smem:$0x3FA9] =	sst s3  }
0xc: {  	[smem:$0x3FAA] =	sst s4  }
0xd: {  	[smem:$0x3FAB] =	sst s5  }
0xe: {  	[smem:$0x3FAC] =	sst s6  }
0xf: {  	[smem:$0x3FAD] =	sst s7  }
0x10: {  	[smem:$0x3FAE] =	sst s8  }
0x11: {  	[smem:$0x3FAF] =	sst s9;
	s0 =	simm.s32 @!p0 $0x0  }
0x12: {  	s1 =	sld [smem:$0x3F95];
	s0 =	simm.s32 @p0 $0x1  }
0x13: {  	[smem:$0x3FB0] =	sst s0;
	s0 =	simm.s32 @!p1 $0x0  }
0x14: {  	s2 =	sld [smem:$0x3F94];
	s0 =	simm.s32 @p1 $0x1  }
0x15: {  	[smem:$0x3FB1] =	sst s0;
	s0 =	simm.s32 @!p2 $0x0  }
0x16: {  	s3 =	sld [smem:$0x3FDB];
	s0 =	simm.s32 @p2 $0x1  }
0x17: {  	s4 =	simm.s32 $0x1BF5;
	[smem:$0x3FB3] =	sst s0  }
0x18: {  	s0 =	sld [smem:$0x3F96];
	_ =	swait.ge [sflag:s4], $0x0  }
0x19: {  	s7 =	sld [smem:$0x3F97]  }
0x1a: {  	s8 =	sadd.s32 $0xFFFFE003, lr  }
0x1b: {  	s9 =	sadd.s32 $0xFFFFFEF7, lr;
	s5 =	simm.s32 $0xFFFFFFFF;
	p2 =	slt.u32 s8, $0xFFFFF086  }
0x1c: {  	p1 =	slt.u32 s9, $0xF7A;
	s5 =	simm.s32 @!p2 $0x0  }
0x1d: {  	s5 =	simm.s32 @p1 $0x1;
	p0 =	seq.s32 s7, s2  }
0x1e: {  	s7 =	smul.u32 @!p0 $0xF7A, s2;
	p2 =	seq.s32 @!p0 s5, $0x0  }
0x1f: {  	s9 =	smul.u32 $0xF7A, s1;
	s8 =	simm.s32 @!p0 $0x1BF5;
	p2 =	por !p2, p0  }
0x20: {  	[sflag:s8] =	ssyncset.s32 @!p0 $0xFFFFF086;
	s6 =	sadd.s32 @!p0 s3, s7;
	s7 =	simm.s32 @!p0 $0x108  }
0x21: {  	s3 =	sadd.s32 s3, s9;
	s6 =	sadd.s32 @!p0 $0x88, s6;
	s7 =	simm.s32 @p2 $0x1082  }
0x22: {  	[simem:s7], [sflag:s8] =	dma.local @!p0 [hbm:s6], $0xF7A  }
0x23: {  	s9 =	sor.u32 $0xD0000000, s2;
	s6 =	simm.s32 $0x108;
	_ =	swait.ge @!p0 [sflag:s8], $0x0  }
0x24: {  	s3 =	sadd.s32 $0x88, s3;
	s6 =	simm.s32 @!p1 $0x1082;
	[sflag:s4] =	ssyncset.s32 $0xFFFFF086  }
0x25: {  	[simem:s6], [sflag:s4] =	dma.local [hbm:s3], $0xF7A  }
0x26: {  	[smem:$0x3F97] =	sst s1;
	(tag) =	ssettag s2;
	_ =	strace s9  }
0x27: {  	s1 =	sld [smem:$0x3FA7]  }
0x28: {  	s2 =	sld [smem:$0x3FA8]  }
0x29: {  	s4 =	sld [smem:$0x3FAA]  }
0x2a: {  	p0 =	seq.s32 s5, $0x0;
	s5 =	sld [smem:$0x3FAB]  }
0x2b: {  	s6 =	sld [smem:$0x3FAC]  }
0x2c: {  	s7 =	sld [smem:$0x3FAD]  }
0x2d: {  	s3 =	simm.s32 $0x108;
	s8 =	sld [smem:$0x3FAE]  }
0x2e: {  	s3 =	simm.s32 @!p0 $0x1082;
	s9 =	sld [smem:$0x3FAF]  }
0x2f: {  	lr =	sadd.s32 s0, s3;
	s0 =	sld [smem:$0x3FA6]  }
0x30: {  	s3 =	sld [smem:$0x3FA9]  }
0x31: {  	[smem:$0x3FB2] =	sst s10  }
0x32: {  	s10 =	sld [smem:$0x3FB0];
	_ =	sdelay $0x3  }
0x33: {  	p0 =	seq.s32 s10, $0x1;
	s10 =	sld [smem:$0x3FB2];
	_ =	sdelay $0x3  }
0x34: {  	[smem:$0x3FB2] =	sst s10  }
0x35: {  	s10 =	sld [smem:$0x3FB1];
	_ =	sdelay $0x3  }
0x36: {  	p1 =	seq.s32 s10, $0x1;
	s10 =	sld [smem:$0x3FB2];
	_ =	sdelay $0x3  }
0x37: {  	[smem:$0x3FB2] =	sst s10  }
0x38: {  	s10 =	sld [smem:$0x3FB3]  }
0x39: {  	_ = 	snop;
	(pc) =	sbr.ind lr, $3  }
0x3a: {  	_ = 	snop  }
0x3b: {  	_ = 	snop  }
0x3c: {  	p2 =	seq.s32 s10, $0x1;
	s10 =	sld [smem:$0x3FB2]  }
0x3d: {  	_ =	shalt  }
0x3e: {  	_ =	shalt  }
0x3f: {  	_ =	shalt  }
0x40: {  	_ =	shalt  }
0x41: {  	_ =	shalt  }
0x42: {  	_ =	shalt  }
0x43: {  	_ =	shalt  }
0x44: {  	_ =	shalt  }
0x45: {  	_ =	shalt  }
0x46: {  	_ =	shalt  }
0x47: {  	_ =	shalt  }
0x48: {  	_ =	shalt  }
0x49: {  	_ =	shalt  }
0x4a: {  	_ =	shalt  }
0x4b: {  	_ =	shalt  }
0x4c: {  	_ =	shalt  }
0x4d: {  	_ =	shalt  }
0x4e: {  	_ =	shalt  }
0x4f: {  	_ =	shalt  }
0x50: {  	_ =	shalt  }
0x51: {  	_ =	shalt  }
0x52: {  	_ =	shalt  }
0x53: {  	_ =	shalt  }
0x54: {  	_ =	shalt  }
0x55: {  	_ =	shalt  }
0x56: {  	_ =	shalt  }
0x57: {  	_ =	shalt  }
0x58: {  	_ =	shalt  }
0x59: {  	_ =	shalt  }
0x5a: {  	_ =	shalt  }
0x5b: {  	_ =	shalt  }
0x5c: {  	_ =	shalt  }
0x5d: {  	_ =	shalt  }
0x5e: {  	_ =	shalt  }
0x5f: {  	_ =	shalt  }
0x60: {  	_ =	shalt  }
0x61: {  	_ =	shalt  }
0x62: {  	_ =	shalt  }
0x63: {  	_ =	shalt  }
0x64: {  	_ =	shalt  }
0x65: {  	_ =	shalt  }
0x66: {  	_ =	shalt  }
0x67: {  	_ =	shalt  }
0x68: {  	_ =	shalt  }
0x69: {  	_ =	shalt  }
0x6a: {  	_ =	shalt  }
0x6b: {  	_ =	shalt  }
0x6c: {  	_ =	shalt  }
0x6d: {  	_ =	shalt  }
0x6e: {  	_ =	shalt  }
0x6f: {  	_ =	shalt  }
0x70: {  	_ =	shalt  }
0x71: {  	_ =	shalt  }
0x72: {  	_ =	shalt  }
0x73: {  	_ =	shalt  }
0x74: {  	_ =	shalt  }
0x75: {  	_ =	shalt  }
0x76: {  	_ =	shalt  }
0x77: {  	_ =	shalt  }
0x78: {  	_ =	shalt  }
0x79: {  	_ =	shalt  }
0x7a: {  	_ =	shalt  }
0x7b: {  	_ =	shalt  }
0x7c: {  	_ =	shalt  }
0x7d: {  	_ =	shalt  }
0x7e: {  	_ =	shalt  }
0x7f: {  	_ =	shalt  }
0x80: {  	_ =	shalt  }
0x81: {  	_ =	shalt  }
0x82: {  	_ =	shalt  }
0x83: {  	_ =	shalt  }
0x84: {  	_ =	shalt  }
0x85: {  	_ =	shalt  }
0x86: {  	_ =	shalt  }
0x87: {  	_ =	shalt  }
.Lfunc_end0:
.L_simem_size_0:
called_computation.2_lowered:
.L_overlay_start_0:
0x88: {  	s2 =	sld [smem:$0x3FD9]  }
0x89: {  	s3 =	sld [smem:$0x3FFE];
	_ =	sdelay $0x1  }
0x8a: {  	s1 =	srdreg.scid  }
0x8b: {  	s0 =	sand.u32 $0x1, s1  }
0x8c: {  	s17 =	sshll.u32 s0, $0xA;
	s2 =	sadd.s32 s3, s2  }
0x8d: {  	s2 =	sadd.s32 s2, s17  }
0x8e: {  	[smem:$0x3FBE] =	sst s2  }
0x8f: {  	_ = 	snop  }
0x90: {  	s2 =	sld [smem:$0x3FD0];
	(tm) =	ssettm $0x1  }
0x91: {  	s18 =	sld [smem:$0x3FFB];
	_ =	sdelay $0x3  }
0x92: {  	_ =	strace s18  }
0x93: {  	s3 =	sld [smem:$0x3FFC];
	_ =	sdelay $0x3  }
0x94: {  	_ =	strace s3  }
0x95: {  	s3 =	sld [smem:$0x3FFD];
	_ =	sdelay $0x3  }
0x96: {  	_ =	strace s3  }
0x97: {  	_ =	strace $0x8FFFFFFF  }
0x98: {  	s19 =	sld [smem:$0x3FDB];
	_ =	sdelay $0x1  }
0x99: {  	s4 =	simm.s32 $_scs_section_size  }
0x9a: {  	s5 =	simm.s32 $_size__tile_overlayer_lowered;
	s6 =	simm.s32 $_tile_overlayer_lowered  }
0x9b: {  	s22 =	simm.s32 $0x1BFF;
	s21 =	sshll.u32 s6, $0x1;
	s3 =	sadd.s32 s4, s19  }
0x9c: {  	s7 =	simm.s32 $0x0;
	s20 =	sshll.u32 s5, $0x1;
	s5 =	sadd.s32 s21, s3  }
0x9d: {  	[timem:s7], [sflag:s22] =	dma.local [hbm:s5], s20  }
0x9e: {  	_ =	swait.ge [sflag:s22], s20  }
0x9f: {  	s4 =	ssub.s32 $0x0, s20;
	[sflag:s22] =	ssyncset.done $0x0  }
0xa0: {  	[sflag:s22] =	ssyncadd.s32 s4;
	_ =	sdelay $0x1  }
0xa1: {  	s23 =	simm.s32 $0x1B8B  }
0xa2: {  	_ =	swait.ge [sflag:s23], $0x1  }
0xa3: {  	[sflag:s23] =	ssyncset.done $0x0  }
0xa4: {  	s25 =	simm.s32 $0x1B8E;
	s24 =	sld [smem:$0x3FFE];
	[sflag:s23] =	ssyncadd.s32 $0xFFFFFFFF  }
0xa5: {  	s26 =	simm.s32 $execute0_lowered;
	[smem:$0x3FD2] =	sst s25  }
0xa6: {  	s5 =	sshll.u32 s26, $0x1;
	_ =	strace $0x8000004C;
	[dreg:$0x1] =	wrdreg $0xFFFFFFFF  }
0xa7: {  	s28 =	simm.s32 $_size_execute0_lowered;
	s3 =	sadd.s32 s3, s5;
	[dreg:$0x0] =	wrdreg $0x0  }
0xa8: {  	s5 =	sshll.u32 s28, $0x1;
	[dreg:$0x2] =	wrdreg s3  }
0xa9: {  	[dreg:$0x3] =	wrdreg s5  }
0xaa: {  	[dreg:$0x4] =	wrdreg $0xC0  }
0xab: {  	_ =	task [dreg:s7], $0x5FFFF  }
0xac: {  	[dreg:$0x1] =	wrdreg $0xFFFFFFFF  }
0xad: {  	[dreg:$0x0] =	wrdreg $0x60  }
0xae: {  	[dreg:$0x2] =	wrdreg s2  }
0xaf: {  	[dreg:$0x3] =	wrdreg s24  }
0xb0: {  	[dreg:$0x4] =	wrdreg $0x98000  }
0xb1: {  	[dreg:$0x5] =	wrdreg $0x9  }
0xb2: {  	_ =	task.clear_ibuf [dreg:s7], $0x6FFFF;
	_ =	strace $0x9000004C  }
0xb3: {  	s29 =	simm.s32 $0x9;
	_ =	strace $0x8000004E  }
0xb4: {  	_ =	swait.ge [sflag:s29], $0x1  }
0xb5: {  	[sflag:s29] =	ssyncadd.s32 $0xFFFFFFFF  }
0xb6: {  	_ =	strace $0x9000004E  }
0xb7: {  	_ =	sfence  }
0xb8: {  	s30 =	sld [smem:$0x0];
	_ =	sdelay $0x2  }
0xb9: {  	s31 =	sshll.u32 s1, $0xD;
	s1 =	sshrl.u32 s1, $0x2  }
0xba: {  	s3 =	sand.u32 $0x4000, s31;
	s1 =	sadd.s32 s1, s30  }
0xbb: {  	s0 =	sor.u32 s3, s0;
	s1 =	sshll.u32 s1, $0x11  }
0xbc: {  	s0 =	sor.u32 s1, s0  }
0xbd: {  	s0 =	sadd.s32 $0x8F2B, s0  }
0xbe: {  	[sflag:s0] =	ssyncadd.remote.s32 $0x1  }
0xbf: {  	_ =	sfence.sel $0xFFFF  }
0xc0: {  	[dreg:$0x0] =	wrdreg $0xFFFFFFFF;
	(pc) =	sbr.abs _section_cstart, $3  }
0xc1: {  	[dreg:$0x1] =	wrdreg $0xFFFFFFFF  }
0xc2: {  	_ =	task.clear_ibuf [dreg:s7], $0x2FFFF;
	_ =	strace $0x9FFFFFFF  }
0xc3: {  	(tm) =	ssettm $0x7FFFFFFF  }
tec
execute0_lowered:
.L_overlay_start_1:
0x0: {  	(tag) =	ssettag $0x1  }
0x1: {  	s1 =	rddreg [dreg:$0x0]  }
0x2: {  	s2 =	srdreg.scid;
	s6 =	rddreg [dreg:$0x1]  }
0x3: {  	s0 =	stileid.u32;
	s3 =	rddreg [dreg:$0x2];
	s4 =	simm.s32 $0x0  }
0x4: {  	s13 =	simm.s32 $0x9000;
	s14 =	simm.s32 $0x80;
	s15 =	simm.s32 $0x5000  }
0x5: {  	s16 =	simm.s32 $0x1;
	s19 =	simm.s32 $0x0;
	s5 =	sand.u32 $0x1, s2  }
0x6: {  	s29 =	sshll.u32 s0, $0x1;
	s2 =	rddreg [dreg:$0x3];
	s8 =	smul.u32 $0x2800, s0  }
0x7: {  	[smem:$0x7FF] =	sst s4;
	s11 =	smul.u32 $0x50000, s0;
	s17 =	sshll.u32 s0, $0x6  }
0x8: {  	s7 =	sor.u32 s5, s29;
	_ =	strace $0x8000004D;
	s9 =	smul.u32 $0x28000, s5  }
0x9: {  	s10 =	ssub.s32 $0x2, s5;
	s5 =	sadd.s32 $0x33E00, s6;
	s17 =	sor.u32 $0x1C02, s17  }
0xa: {  	s7 =	smul.u32 $0x500, s7;
	s30 =	sshrl.u32 s10, $0x1;
	s31 =	sshrl.u32 s11, $0x2  }
0xb: {  	s11 =	simm.s32 $0x2;
	s8 =	sadd.s32 s8, s9;
	s10 =	ssub.s32 s10, s30  }
0xc: {  	s7 =	sadd.s32 s7, s6;
	s12 =	sadd.s32 s8, s6;
	s8 =	sadd.s32 s31, s3  }
0xd: {  	s10 =	smax.u32 s10, $0x1;
	s6 =	sadd.s32 $0x5CE00, s7;
	s7 =	sadd.s32 $0x2C00, s7  }
0xe: {  	s9 =	sadd.s32 $0x66E00, s12;
	s12 =	simm.s32 $0x2800;
	s18 =	sshrl.u32 s8, $0x3  }
.LBB2_1:
0xf: {  	[tilespmem:s4], [sflag:$0x2] =	stream.linear.gather [hbm4b:s6+s4], $0x2780, $0x38;
	[tilespmem:$0x1D800] =	vst v63  }
0x10: {  	_ =	swait.ge [sflag:s11], $0x2780  }
0x11: {  	[sflag:s11] =	ssyncset.done $0x0  }
0x12: {  	[sflag:s11] =	ssyncadd.s32 $0xFFFFD880  }
0x13: {  	[tilespmem:s12], [sflag:$0x2] =	stream.linear.gather [hbm4b:s7+s4], $0x2780, $0x38;
	[tilespmem:$0x1D800] =	vst v63  }
0x14: {  	_ =	swait.ge [sflag:s11], $0x2780  }
0x15: {  	[sflag:s11] =	ssyncset.done $0x0  }
0x16: {  	[sflag:s11] =	ssyncadd.s32 $0xFFFFD880  }
0x17: {  	[tilespmem:s13], [sflag:$0x2] =	stream.linear.gather [hbm4b:s5+s4], $0x800, $0x38;
	[tilespmem:$0x1D800] =	vst v63  }
0x18: {  	_ =	swait.ge [sflag:s11], $0x800  }
0x19: {  	[sflag:s11] =	ssyncset.done $0x0  }
0x1a: {  	s20 =	sadd.s32 $0x0, s8;
	[sflag:s11] =	ssyncadd.s32 $0xFFFFF800  }
0x1b: {  	[spmem:s20] =	stream.linear.scatter [tilespmem:s13], [sflag:$0x2], $0x800, $0x38;
	[tilespmem:$0x1D800] =	vst v63  }
0x1c: {  	s20 =	simm.s32 $0x2000;
	_ =	swait.ge [sflag:s11], $0x800  }
.LBB2_2:
0x1d: {  	s21 =	sshra.s32 s20, $0x2;
	[sflag:s11] =	ssyncset.done $0x0;
	p0 =	sne.s32 s20, $0x4E000  }
.Ltmp0:
0x1e: {  	s21 =	sadd.s32 s21, s8;
	[sflag:s11] =	ssyncadd.s32 $0xFFFFF800;
	(pc) =	sbr.rel @p0 .LBB2_2-.Ltmp0, $3  }
0x1f: {  	[spmem:s21] =	stream.linear.scatter [tilespmem:s13], [sflag:$0x2], $0x800, $0x38;
	[tilespmem:$0x1D800] =	vst v63  }
0x20: {  	s20 =	sadd.s32 $0x2000, s20;
	_ =	sdelay $0x1  }
0x21: {  	_ =	swait.ge [sflag:s11], $0x800  }
0x22: {  	[sflag:s11] =	ssyncset.done $0x0  }
0x23: {  	[sflag:s11] =	ssyncadd.s32 $0xFFFFF800  }
0x24: {  	s20 =	simm.s32 $0x0;
	[bflag:$0x0] =	sbarrier.arrive $0xFFFF  }
0x25: {  	[tilespmem:s15], [sflag:$0x1] =	stream.indirect.gather [hbm4b:s1+s14], $0x80, s20, s14, $0xb8;
	[tilespmem:$0x1D800] =	vst v63  }
0x26: {  	_ =	swait.ge [sflag:s16], $0x4000  }
0x27: {  	[sflag:s16] =	ssyncset.done $0x0  }
0x28: {  	s31 =	simm.s32 $0x2800;
	[sflag:s16] =	ssyncadd.s32 $0xFFFFC000  }
0x29: {  	[spmem:s3] =	stream.indirect.scatter.add.f32 [tilespmem:s15], [sflag:$0x2], $0x80, s31, s14, $0xb8;
	[tilespmem:$0x1D800] =	vst v63  }
0x2a: {  	_ =	swait.ge [sflag:s11], $0x4000  }
0x2b: {  	s21 =	simm.s32 $0x400;
	s20 =	simm.s32 $0x200;
	[sflag:s11] =	ssyncset.done $0x0  }
.LBB2_4:
0x2c: {  	s22 =	sshra.s32 s20, $0x2  }
0x2d: {  	[sflag:s11] =	ssyncadd.s32 $0xFFFFC000;
	s20 =	smov.u32 s21;
	s23 =	sadd.s32 $0x200, s21  }
0x2e: {  	[tilespmem:s15], [sflag:$0x1] =	stream.indirect.gather [hbm4b:s1+s14], $0x80, s22, s14, $0xb8;
	[tilespmem:$0x1D800] =	vst v63  }
0x2f: {  	p0 =	sne.s32 s21, $0x9C00;
	_ =	swait.ge [sflag:s16], $0x4000  }
.Ltmp1:
0x30: {  	[sflag:s16] =	ssyncset.done $0x0;
	(pc) =	sbr.rel @p0 .LBB2_4-.Ltmp1, $4  }
0x31: {  	s21 =	sadd.s32 $0x2800, s22;
	[sflag:s16] =	ssyncadd.s32 $0xFFFFC000  }
0x32: {  	[spmem:s3] =	stream.indirect.scatter.add.f32 [tilespmem:s15], [sflag:$0x2], $0x80, s21, s14, $0xb8;
	[tilespmem:$0x1D800] =	vst v63  }
0x33: {  	_ =	swait.ge [sflag:s11], $0x4000  }
0x34: {  	s21 =	smov.u32 s23;
	[sflag:s11] =	ssyncset.done $0x0  }
0x35: {  	s20 =	sshra.s32 s20, $0x2;
	[sflag:s11] =	ssyncadd.s32 $0xFFFFC000  }
0x36: {  	[tilespmem:s15], [sflag:$0x1] =	stream.indirect.gather [hbm4b:s1+s14], $0x80, s20, s14, $0xb8;
	[tilespmem:$0x1D800] =	vst v63  }
0x37: {  	_ =	swait.ge [sflag:s16], $0x4000  }
0x38: {  	[sflag:s16] =	ssyncset.done $0x0  }
0x39: {  	s20 =	sadd.s32 $0x2800, s20;
	[sflag:s16] =	ssyncadd.s32 $0xFFFFC000  }
0x3a: {  	[spmem:s3] =	stream.indirect.scatter.add.f32 [tilespmem:s15], [sflag:$0x2], $0x80, s20, s14, $0xb8;
	[tilespmem:$0x1D800] =	vst v63  }
0x3b: {  	_ =	swait.ge [sflag:s11], $0x4000  }
0x3c: {  	s19 =	sadd.s32 $0x1, s19;
	[sflag:s11] =	ssyncset.done $0x0  }
0x3d: {  	p0 =	sne.s32 s19, s10;
	[sflag:s11] =	ssyncadd.s32 $0xFFFFC000  }
.Ltmp2:
0x3e: {  	[bflag:$0x0] =	sbarrier.arrive $0xFFFF;
	(pc) =	sbr.rel @p0 .LBB2_1-.Ltmp2, $4  }
0x3f: {  	[hbm:s9], [sflag:s17] =	dma.local [spmem:s18], $0x2800  }
0x40: {  	_ =	swait.ge [sflag:s11], $0x2800  }
0x41: {  	[sflag:s11] =	ssyncset.done $0x0  }
0x42: {  	[sflag:s11] =	ssyncadd.s32 $0xFFFFD800  }
0x43: {  	_ =	sfence.sel $0x180000  }
0x44: {  	[bflag:$0x0] =	sbarrier.arrive $0xFFFF  }
0x45: {  	p0 =	sne.s32 s0, $0x0;
	_ =	strace $0x9000004D  }
0x46: {  	s0 =	sadd.s32 @!p0 $0x100000, s2;
	[bflag:$0x2] =	sbarrier.arrive $0xFFFF  }
0x47: {  	[sflag:s0] =	ssyncadd.tile.s32 @!p0 $0x1;
	_ =	shalt  }
.Lfunc_end2:
_tile_overlayer_lowered:
.L_overlay_start_2:
0x48: {  	(tag) =	ssettag $0x2  }
0x49: {  	s0 =	rddreg [dreg:$0x0];
	s2 =	stileid.u32  }
0x4a: {  	s1 =	rddreg [dreg:$0x1];
	p0 =	sne.s32 s2, $0x0  }
0x4b: {  	s3 =	rddreg [dreg:$0x2];
	[bflag:$0x3] =	sbarrier.arrive $0xFFFF;
	s2 =	simm.s32 @!p0 $0x1C02  }
0x4c: {  	[timem:s3], [sflag:s2] =	dma.local @!p0 [hbm:s0], s1  }
0x4d: {  	s0 =	simm.s32 @!p0 $0x2  }
0x4e: {  	_ =	swait.ge @!p0 [sflag:s0], s1  }
0x4f: {  	s1 =	ssub.s32 @!p0 $0x0, s1;
	[sflag:s0] =	ssyncset.done @!p0 $0x0  }
0x50: {  	[sflag:s0] =	ssyncadd.s32 @!p0 s1  }
0x51: {  	[bflag:$0x3] =	sbarrier.arrive $0xFFFF  }
0x52: {  	_ =	shalt  }

</sc_bundles>
